<compile_context>
chip_gen: v7x
topology: tpu7x:2x2x1
jax: 0.10.2.dev20260603
libtpu: 0.0.44.dev20260713+nightly
codegen_flags: <defaults>
</compile_context>

<pallas_src>
import functools

import jax
import jax.numpy as jnp
from jax import lax
from jax.experimental import pallas as pl
from jax.experimental.pallas import tpu as pltpu
from jax.experimental.pallas import tpu_sc as plsc

BATCH = 16384
N_GROUPS = 26
INNER = 128
OUT_DIM = 128
N_IDX = BATCH * N_GROUPS
NW = 32
PER_W = N_IDX // NW
CHUNK = 128
N_CHUNK = PER_W // CHUNK
RING = 4
LOOK = 2
NG = N_CHUNK // RING


def _gather_body(table_hbm, idx_hbm, out_hbm, idx_v,
                 b0, b1, b2, b3, g0, g1, g2, g3, o0, o1, o2, o3):
    bufs = [b0, b1, b2, b3]
    gsem = [g0, g1, g2, g3]
    osem = [o0, o1, o2, o3]
    wid = lax.axis_index("s") * 2 + lax.axis_index("c")
    obase = wid * PER_W
    pltpu.sync_copy(idx_hbm.at[wid], idx_v)

    def start_gather(g, b):
        pltpu.async_copy(table_hbm.at[idx_v.at[g]], bufs[b], gsem[b])

    def wait_gather(b):
        pltpu.make_async_copy(table_hbm.at[pl.ds(0, CHUNK)], bufs[b],
                              gsem[b]).wait()

    def start_out(g, b):
        pltpu.async_copy(bufs[b], out_hbm.at[pl.ds(obase + g * CHUNK, CHUNK)],
                         osem[b])

    def wait_out(b):
        pltpu.make_async_copy(bufs[b], out_hbm.at[pl.ds(0, CHUNK)],
                              osem[b]).wait()

    for g in range(LOOK):
        start_gather(g, g)

    for b in range(RING):
        wait_gather(b)
        start_out(b, b)
        la, j = b + LOOK, (b + LOOK) % RING
        if la >= RING:
            wait_out(j)
        start_gather(la, j)

    def group(grp, carry):
        g_base = grp * RING
        for b in range(RING):
            wait_gather(b)
            start_out(g_base + b, b)
            j = (b + LOOK) % RING
            wait_out(j)
            start_gather(g_base + b + LOOK, j)
        return carry

    lax.fori_loop(1, NG - 1, group, 0)

    g_base = (NG - 1) * RING
    for b in range(RING):
        wait_gather(b)
        start_out(g_base + b, b)
        la = g_base + b + LOOK
        if la < N_CHUNK:
            j = (b + LOOK) % RING
            wait_out(j)
            start_gather(la, j)

    for b in range(RING):
        wait_out(b)


def _sc_gather(table, idx3):
    mesh = plsc.VectorSubcoreMesh(core_axis_name="c", subcore_axis_name="s")
    kern = functools.partial(
        pl.kernel,
        mesh=mesh,
        out_type=jax.ShapeDtypeStruct((N_IDX, INNER), jnp.float32),
        scratch_types=[
            pltpu.VMEM((N_CHUNK, CHUNK), jnp.int32),
            pltpu.VMEM((CHUNK, INNER), jnp.float32),
            pltpu.VMEM((CHUNK, INNER), jnp.float32),
            pltpu.VMEM((CHUNK, INNER), jnp.float32),
            pltpu.VMEM((CHUNK, INNER), jnp.float32),
            pltpu.SemaphoreType.DMA,
            pltpu.SemaphoreType.DMA,
            pltpu.SemaphoreType.DMA,
            pltpu.SemaphoreType.DMA,
            pltpu.SemaphoreType.DMA,
            pltpu.SemaphoreType.DMA,
            pltpu.SemaphoreType.DMA,
            pltpu.SemaphoreType.DMA,
        ],
    )(_gather_body)
    return kern(table, idx3)


def _mm_body(flat_ref, wt_ref, out_ref):
    out_ref[...] = jnp.dot(flat_ref[...], wt_ref[...],
                           preferred_element_type=jnp.float32)


def _tc_matmul(flat, wt):
    bm = 1024
    return pl.pallas_call(
        _mm_body,
        grid=(BATCH // bm,),
        in_specs=[
            pl.BlockSpec((bm, N_GROUPS * INNER), lambda i: (i, 0)),
            pl.BlockSpec((N_GROUPS * INNER, OUT_DIM), lambda i: (0, 0)),
        ],
        out_specs=pl.BlockSpec((bm, OUT_DIM), lambda i: (i, 0)),
        out_shape=jax.ShapeDtypeStruct((BATCH, OUT_DIM), jnp.float32),
    )(flat, wt)


def kernel(x, table, W):
    idx3 = x.reshape(NW, N_CHUNK, CHUNK)
    rows = _sc_gather(table, idx3)
    flat = rows.reshape(BATCH, N_GROUPS * INNER)
    return _tc_matmul(flat, W.T)

# --- scband reference (transcript-rebuilt; emitter-appended) ---
"""Pipeline reference for scband-group-embedding-13357348291306 (READ-ONLY COPY).

The authoritative reference and input builder live on the scoring server;
editing this copy changes nothing except your own understanding.
"""

import jax, jax.numpy as jnp
import numpy as np

N_TOKENS = 1000000
N_GROUPS = 26
INNER_DIM = 128
OUT_DIM = 128
BATCH = 16384

def setup_inputs(seed: int = 0) -> dict:
    key = jax.random.key(seed)
    k1, k2, k3 = jax.random.split(key, 3)
    x = jax.random.randint(k1, (BATCH, N_GROUPS), 0, N_TOKENS, dtype=jnp.int64 if jax.config.jax_enable_x64 else jnp.int32).astype(jnp.int32)
    # embedding table initialized like nn.Embedding (normal(0,1))
    table = jax.random.normal(k2, (N_TOKENS, INNER_DIM), dtype=jnp.float32)
    # linear weight like nn.Linear: uniform(-1/sqrt(fan_in), 1/sqrt(fan_in)), shape [out, in]
    fan_in = N_GROUPS * INNER_DIM
    bound = 1.0 / np.sqrt(fan_in)
    W = jax.random.uniform(k3, (OUT_DIM, fan_in), dtype=jnp.float32, minval=-bound, maxval=bound)
    return {"x": x, "table": table, "W": W}

def reference(x, table, W):
    # emb = self.embedding(x)
    emb = jnp.take(table, x, axis=0)  # [B, n_groups, inner_dim]
    # flatten last two dims: [B, n_groups * inner_dim]
    flat = emb.reshape(emb.shape[0], N_GROUPS * INNER_DIM)
    # proj (no bias): flat @ W.T
    out = flat @ W.T  # [B, out_dim]
    return out

if __name__ == "__main__":
    import jax
    _d = setup_inputs()
    print(jax.jit(kernel)(*tuple(_d.values())))

</pallas_src>

<mosaic_0001>
#map = affine_map<(d0, d1) -> (0, 0)>
#map1 = affine_map<(d0, d1) -> (0, 0, 0)>
module attributes {stable_mosaic.version = 14 : i64} {
  func.func @_gather_body(%arg0: i32, %arg1: i32, %arg2: memref<1000000x128xf32, #tpu.memory_space<hbm>>, %arg3: memref<32x104x128xi32, #tpu.memory_space<hbm>>, %arg4: memref<425984x128xf32, #tpu.memory_space<hbm>>, %arg5: memref<104x128xi32, #tpu.memory_space<vmem>>, %arg6: memref<128x128xf32, #tpu.memory_space<vmem>>, %arg7: memref<128x128xf32, #tpu.memory_space<vmem>>, %arg8: memref<128x128xf32, #tpu.memory_space<vmem>>, %arg9: memref<128x128xf32, #tpu.memory_space<vmem>>, %arg10: memref<!tpu.dma_semaphore, #tpu.memory_space<semaphore_mem>>, %arg11: memref<!tpu.dma_semaphore, #tpu.memory_space<semaphore_mem>>, %arg12: memref<!tpu.dma_semaphore, #tpu.memory_space<semaphore_mem>>, %arg13: memref<!tpu.dma_semaphore, #tpu.memory_space<semaphore_mem>>, %arg14: memref<!tpu.dma_semaphore, #tpu.memory_space<semaphore_mem>>, %arg15: memref<!tpu.dma_semaphore, #tpu.memory_space<semaphore_mem>>, %arg16: memref<!tpu.dma_semaphore, #tpu.memory_space<semaphore_mem>>, %arg17: memref<!tpu.dma_semaphore, #tpu.memory_space<semaphore_mem>>) attributes {dimension_semantics = [#tpu.dimension_semantics<core_parallel>, #tpu.dimension_semantics<subcore_parallel>], iteration_bounds = array<i64: 2, 16>, scalar_prefetch = 0 : i64, scratch_operands = 13 : i64, tpu.core_type = #tpu.core_type<sc_vector_subcore>, window_params = [{transform_indices = #map}, {transform_indices = #map1}, {transform_indices = #map}]} {
    %mul3A = arith.constant 2 : i32
    %mul3A_0 = arith.muli %arg1, %mul3A : i32
    %add3A = arith.addi %mul3A_0, %arg0 : i32
    %mul3A_1 = arith.constant 13312 : i32
    %mul3A_2 = arith.muli %add3A, %mul3A_1 : i32
    "tpu.region"() ({
      %run_scoped3A = tpu.sem_alloc : memref<!tpu.dma_semaphore, #tpu.memory_space<semaphore_mem>>
      %dma_start3A_206 = arith.constant 0 : i32
      %dma_start3A_207 = arith.constant 0 : i32
      %dma_start3A_208 = tpu.memref_slice %arg3[%add3A, %dma_start3A_206, %dma_start3A_207] : memref<32x104x128xi32, #tpu.memory_space<hbm>> -> memref<1x104x128xi32, #tpu.memory_space<hbm>>
      %dma_start3A_209 = tpu.memref_squeeze %dma_start3A_208 : memref<1x104x128xi32, #tpu.memory_space<hbm>> -> memref<104x128xi32, #tpu.memory_space<hbm>>
      %dma_start3A_210 = arith.constant 0 : i32
      %dma_start3A_211 = arith.constant 0 : i32
      %dma_start3A_212 = tpu.memref_slice %arg3[%add3A, %dma_start3A_210, %dma_start3A_211] : memref<32x104x128xi32, #tpu.memory_space<hbm>> -> memref<1x104x128xi32, #tpu.memory_space<hbm>>
      %dma_start3A_213 = tpu.memref_squeeze %dma_start3A_212 : memref<1x104x128xi32, #tpu.memory_space<hbm>> -> memref<104x128xi32, #tpu.memory_space<hbm>>
      tpu.enqueue_dma source(%dma_start3A_213 : memref<104x128xi32, #tpu.memory_space<hbm>>) target(%arg5 : memref<104x128xi32, #tpu.memory_space<vmem>>) target_semaphore(%run_scoped3A : memref<!tpu.dma_semaphore, #tpu.memory_space<semaphore_mem>>)
      %dma_wait3A_214 = arith.constant 0 : i32
      %dma_wait3A_215 = arith.constant 0 : i32
      %dma_wait3A_216 = tpu.memref_slice %arg3[%add3A, %dma_wait3A_214, %dma_wait3A_215] : memref<32x104x128xi32, #tpu.memory_space<hbm>> -> memref<1x104x128xi32, #tpu.memory_space<hbm>>
      %dma_wait3A_217 = tpu.memref_squeeze %dma_wait3A_216 : memref<1x104x128xi32, #tpu.memory_space<hbm>> -> memref<104x128xi32, #tpu.memory_space<hbm>>
      %dma_wait3A_218 = arith.constant 0 : i32
      %dma_wait3A_219 = arith.constant 0 : i32
      %dma_wait3A_220 = tpu.memref_slice %arg3[%add3A, %dma_wait3A_218, %dma_wait3A_219] : memref<32x104x128xi32, #tpu.memory_space<hbm>> -> memref<1x104x128xi32, #tpu.memory_space<hbm>>
      %dma_wait3A_221 = tpu.memref_squeeze %dma_wait3A_220 : memref<1x104x128xi32, #tpu.memory_space<hbm>> -> memref<104x128xi32, #tpu.memory_space<hbm>>
      tpu.wait_dma2 semaphore(%run_scoped3A : memref<!tpu.dma_semaphore, #tpu.memory_space<semaphore_mem>>) src(%dma_wait3A_221 : memref<104x128xi32, #tpu.memory_space<hbm>>) dst(%arg5 : memref<104x128xi32, #tpu.memory_space<vmem>>)
      tpu.yield
    }) : () -> ()
    %dma_start3A = arith.constant 0 : i32
    %dma_start3A_3 = arith.constant 0 : i32
    %dma_start3A_4 = tpu.memref_slice %arg5[%dma_start3A, %dma_start3A_3] : memref<104x128xi32, #tpu.memory_space<vmem>> -> memref<1x128xi32, #tpu.memory_space<vmem>>
    %dma_start3A_5 = tpu.memref_squeeze %dma_start3A_4 : memref<1x128xi32, #tpu.memory_space<vmem>> -> memref<128xi32, #tpu.memory_space<vmem>>
    %dma_start3A_6 = arith.constant 0 : i32
    %dma_start3A_7 = arith.constant 0 : i32
    %dma_start3A_8 = tpu.memref_slice %arg2[%dma_start3A_6, %dma_start3A_7] : memref<1000000x128xf32, #tpu.memory_space<hbm>> -> memref<1000000x128xf32, #tpu.memory_space<hbm>>
    tpu.enqueue_indirect_dma source(%dma_start3A_8 : memref<1000000x128xf32, #tpu.memory_space<hbm>>) target(%arg6 : memref<128x128xf32, #tpu.memory_space<vmem>>) offsets(%dma_start3A_5 : memref<128xi32, #tpu.memory_space<vmem>>) semaphore(%arg10 : memref<!tpu.dma_semaphore, #tpu.memory_space<semaphore_mem>>)
    %dma_start3A_9 = arith.constant 1 : i32
    %dma_start3A_10 = arith.constant 0 : i32
    %dma_start3A_11 = tpu.memref_slice %arg5[%dma_start3A_9, %dma_start3A_10] : memref<104x128xi32, #tpu.memory_space<vmem>> -> memref<1x128xi32, #tpu.memory_space<vmem>>
    %dma_start3A_12 = tpu.memref_squeeze %dma_start3A_11 : memref<1x128xi32, #tpu.memory_space<vmem>> -> memref<128xi32, #tpu.memory_space<vmem>>
    %dma_start3A_13 = arith.constant 0 : i32
    %dma_start3A_14 = arith.constant 0 : i32
    %dma_start3A_15 = tpu.memref_slice %arg2[%dma_start3A_13, %dma_start3A_14] : memref<1000000x128xf32, #tpu.memory_space<hbm>> -> memref<1000000x128xf32, #tpu.memory_space<hbm>>
    tpu.enqueue_indirect_dma source(%dma_start3A_15 : memref<1000000x128xf32, #tpu.memory_space<hbm>>) target(%arg7 : memref<128x128xf32, #tpu.memory_space<vmem>>) offsets(%dma_start3A_12 : memref<128xi32, #tpu.memory_space<vmem>>) semaphore(%arg11 : memref<!tpu.dma_semaphore, #tpu.memory_space<semaphore_mem>>)
    %dma_wait3A = arith.constant 0 : i32
    %dma_wait3A_16 = arith.constant 0 : i32
    %dma_wait3A_17 = tpu.memref_slice %arg2[%dma_wait3A, %dma_wait3A_16] : memref<1000000x128xf32, #tpu.memory_space<hbm>> -> memref<128x128xf32, #tpu.memory_space<hbm>>
    %dma_wait3A_18 = arith.constant 0 : i32
    %dma_wait3A_19 = arith.constant 0 : i32
    %dma_wait3A_20 = tpu.memref_slice %arg2[%dma_wait3A_18, %dma_wait3A_19] : memref<1000000x128xf32, #tpu.memory_space<hbm>> -> memref<128x128xf32, #tpu.memory_space<hbm>>
    tpu.wait_dma2 semaphore(%arg10 : memref<!tpu.dma_semaphore, #tpu.memory_space<semaphore_mem>>) src(%dma_wait3A_20 : memref<128x128xf32, #tpu.memory_space<hbm>>) dst(%arg6 : memref<128x128xf32, #tpu.memory_space<vmem>>)
    %add3A_21 = arith.constant 0 : i32
    %add3A_22 = arith.addi %mul3A_2, %add3A_21 : i32
    %dma_start3A_23 = arith.constant 0 : i32
    %dma_start3A_24 = tpu.memref_slice %arg4[%add3A_22, %dma_start3A_23] : memref<425984x128xf32, #tpu.memory_space<hbm>> -> memref<128x128xf32, #tpu.memory_space<hbm>>
    %dma_start3A_25 = arith.constant 0 : i32
    %dma_start3A_26 = tpu.memref_slice %arg4[%add3A_22, %dma_start3A_25] : memref<425984x128xf32, #tpu.memory_space<hbm>> -> memref<128x128xf32, #tpu.memory_space<hbm>>
    tpu.enqueue_dma source(%arg6 : memref<128x128xf32, #tpu.memory_space<vmem>>) target(%dma_start3A_26 : memref<128x128xf32, #tpu.memory_space<hbm>>) target_semaphore(%arg14 : memref<!tpu.dma_semaphore, #tpu.memory_space<semaphore_mem>>)
    %dma_start3A_27 = arith.constant 2 : i32
    %dma_start3A_28 = arith.constant 0 : i32
    %dma_start3A_29 = tpu.memref_slice %arg5[%dma_start3A_27, %dma_start3A_28] : memref<104x128xi32, #tpu.memory_space<vmem>> -> memref<1x128xi32, #tpu.memory_space<vmem>>
    %dma_start3A_30 = tpu.memref_squeeze %dma_start3A_29 : memref<1x128xi32, #tpu.memory_space<vmem>> -> memref<128xi32, #tpu.memory_space<vmem>>
    %dma_start3A_31 = arith.constant 0 : i32
    %dma_start3A_32 = arith.constant 0 : i32
    %dma_start3A_33 = tpu.memref_slice %arg2[%dma_start3A_31, %dma_start3A_32] : memref<1000000x128xf32, #tpu.memory_space<hbm>> -> memref<1000000x128xf32, #tpu.memory_space<hbm>>
    tpu.enqueue_indirect_dma source(%dma_start3A_33 : memref<1000000x128xf32, #tpu.memory_space<hbm>>) target(%arg8 : memref<128x128xf32, #tpu.memory_space<vmem>>) offsets(%dma_start3A_30 : memref<128xi32, #tpu.memory_space<vmem>>) semaphore(%arg12 : memref<!tpu.dma_semaphore, #tpu.memory_space<semaphore_mem>>)
    %dma_wait3A_34 = arith.constant 0 : i32
    %dma_wait3A_35 = arith.constant 0 : i32
    %dma_wait3A_36 = tpu.memref_slice %arg2[%dma_wait3A_34, %dma_wait3A_35] : memref<1000000x128xf32, #tpu.memory_space<hbm>> -> memref<128x128xf32, #tpu.memory_space<hbm>>
    %dma_wait3A_37 = arith.constant 0 : i32
    %dma_wait3A_38 = arith.constant 0 : i32
    %dma_wait3A_39 = tpu.memref_slice %arg2[%dma_wait3A_37, %dma_wait3A_38] : memref<1000000x128xf32, #tpu.memory_space<hbm>> -> memref<128x128xf32, #tpu.memory_space<hbm>>
    tpu.wait_dma2 semaphore(%arg11 : memref<!tpu.dma_semaphore, #tpu.memory_space<semaphore_mem>>) src(%dma_wait3A_39 : memref<128x128xf32, #tpu.memory_space<hbm>>) dst(%arg7 : memref<128x128xf32, #tpu.memory_space<vmem>>)
    %add3A_40 = arith.constant 128 : i32
    %add3A_41 = arith.addi %mul3A_2, %add3A_40 : i32
    %dma_start3A_42 = arith.constant 0 : i32
    %dma_start3A_43 = tpu.memref_slice %arg4[%add3A_41, %dma_start3A_42] : memref<425984x128xf32, #tpu.memory_space<hbm>> -> memref<128x128xf32, #tpu.memory_space<hbm>>
    %dma_start3A_44 = arith.constant 0 : i32
    %dma_start3A_45 = tpu.memref_slice %arg4[%add3A_41, %dma_start3A_44] : memref<425984x128xf32, #tpu.memory_space<hbm>> -> memref<128x128xf32, #tpu.memory_space<hbm>>
    tpu.enqueue_dma source(%arg7 : memref<128x128xf32, #tpu.memory_space<vmem>>) target(%dma_start3A_45 : memref<128x128xf32, #tpu.memory_space<hbm>>) target_semaphore(%arg15 : memref<!tpu.dma_semaphore, #tpu.memory_space<semaphore_mem>>)
    %dma_start3A_46 = arith.constant 3 : i32
    %dma_start3A_47 = arith.constant 0 : i32
    %dma_start3A_48 = tpu.memref_slice %arg5[%dma_start3A_46, %dma_start3A_47] : memref<104x128xi32, #tpu.memory_space<vmem>> -> memref<1x128xi32, #tpu.memory_space<vmem>>
    %dma_start3A_49 = tpu.memref_squeeze %dma_start3A_48 : memref<1x128xi32, #tpu.memory_space<vmem>> -> memref<128xi32, #tpu.memory_space<vmem>>
    %dma_start3A_50 = arith.constant 0 : i32
    %dma_start3A_51 = arith.constant 0 : i32
    %dma_start3A_52 = tpu.memref_slice %arg2[%dma_start3A_50, %dma_start3A_51] : memref<1000000x128xf32, #tpu.memory_space<hbm>> -> memref<1000000x128xf32, #tpu.memory_space<hbm>>
    tpu.enqueue_indirect_dma source(%dma_start3A_52 : memref<1000000x128xf32, #tpu.memory_space<hbm>>) target(%arg9 : memref<128x128xf32, #tpu.memory_space<vmem>>) offsets(%dma_start3A_49 : memref<128xi32, #tpu.memory_space<vmem>>) semaphore(%arg13 : memref<!tpu.dma_semaphore, #tpu.memory_space<semaphore_mem>>)
    %dma_wait3A_53 = arith.constant 0 : i32
    %dma_wait3A_54 = arith.constant 0 : i32
    %dma_wait3A_55 = tpu.memref_slice %arg2[%dma_wait3A_53, %dma_wait3A_54] : memref<1000000x128xf32, #tpu.memory_space<hbm>> -> memref<128x128xf32, #tpu.memory_space<hbm>>
    %dma_wait3A_56 = arith.constant 0 : i32
    %dma_wait3A_57 = arith.constant 0 : i32
    %dma_wait3A_58 = tpu.memref_slice %arg2[%dma_wait3A_56, %dma_wait3A_57] : memref<1000000x128xf32, #tpu.memory_space<hbm>> -> memref<128x128xf32, #tpu.memory_space<hbm>>
    tpu.wait_dma2 semaphore(%arg12 : memref<!tpu.dma_semaphore, #tpu.memory_space<semaphore_mem>>) src(%dma_wait3A_58 : memref<128x128xf32, #tpu.memory_space<hbm>>) dst(%arg8 : memref<128x128xf32, #tpu.memory_space<vmem>>)
    %add3A_59 = arith.constant 256 : i32
    %add3A_60 = arith.addi %mul3A_2, %add3A_59 : i32
    %dma_start3A_61 = arith.constant 0 : i32
    %dma_start3A_62 = tpu.memref_slice %arg4[%add3A_60, %dma_start3A_61] : memref<425984x128xf32, #tpu.memory_space<hbm>> -> memref<128x128xf32, #tpu.memory_space<hbm>>
    %dma_start3A_63 = arith.constant 0 : i32
    %dma_start3A_64 = tpu.memref_slice %arg4[%add3A_60, %dma_start3A_63] : memref<425984x128xf32, #tpu.memory_space<hbm>> -> memref<128x128xf32, #tpu.memory_space<hbm>>
    tpu.enqueue_dma source(%arg8 : memref<128x128xf32, #tpu.memory_space<vmem>>) target(%dma_start3A_64 : memref<128x128xf32, #tpu.memory_space<hbm>>) target_semaphore(%arg16 : memref<!tpu.dma_semaphore, #tpu.memory_space<semaphore_mem>>)
    %dma_wait3A_65 = arith.constant 0 : i32
    %dma_wait3A_66 = arith.constant 0 : i32
    %dma_wait3A_67 = tpu.memref_slice %arg4[%dma_wait3A_65, %dma_wait3A_66] : memref<425984x128xf32, #tpu.memory_space<hbm>> -> memref<128x128xf32, #tpu.memory_space<hbm>>
    %dma_wait3A_68 = arith.constant 0 : i32
    %dma_wait3A_69 = arith.constant 0 : i32
    %dma_wait3A_70 = tpu.memref_slice %arg4[%dma_wait3A_68, %dma_wait3A_69] : memref<425984x128xf32, #tpu.memory_space<hbm>> -> memref<128x128xf32, #tpu.memory_space<hbm>>
    tpu.wait_dma2 semaphore(%arg14 : memref<!tpu.dma_semaphore, #tpu.memory_space<semaphore_mem>>) src(%arg6 : memref<128x128xf32, #tpu.memory_space<vmem>>) dst(%dma_wait3A_70 : memref<128x128xf32, #tpu.memory_space<hbm>>)
    %dma_start3A_71 = arith.constant 4 : i32
    %dma_start3A_72 = arith.constant 0 : i32
    %dma_start3A_73 = tpu.memref_slice %arg5[%dma_start3A_71, %dma_start3A_72] : memref<104x128xi32, #tpu.memory_space<vmem>> -> memref<1x128xi32, #tpu.memory_space<vmem>>
    %dma_start3A_74 = tpu.memref_squeeze %dma_start3A_73 : memref<1x128xi32, #tpu.memory_space<vmem>> -> memref<128xi32, #tpu.memory_space<vmem>>
    %dma_start3A_75 = arith.constant 0 : i32
    %dma_start3A_76 = arith.constant 0 : i32
    %dma_start3A_77 = tpu.memref_slice %arg2[%dma_start3A_75, %dma_start3A_76] : memref<1000000x128xf32, #tpu.memory_space<hbm>> -> memref<1000000x128xf32, #tpu.memory_space<hbm>>
    tpu.enqueue_indirect_dma source(%dma_start3A_77 : memref<1000000x128xf32, #tpu.memory_space<hbm>>) target(%arg6 : memref<128x128xf32, #tpu.memory_space<vmem>>) offsets(%dma_start3A_74 : memref<128xi32, #tpu.memory_space<vmem>>) semaphore(%arg10 : memref<!tpu.dma_semaphore, #tpu.memory_space<semaphore_mem>>)
    %dma_wait3A_78 = arith.constant 0 : i32
    %dma_wait3A_79 = arith.constant 0 : i32
    %dma_wait3A_80 = tpu.memref_slice %arg2[%dma_wait3A_78, %dma_wait3A_79] : memref<1000000x128xf32, #tpu.memory_space<hbm>> -> memref<128x128xf32, #tpu.memory_space<hbm>>
    %dma_wait3A_81 = arith.constant 0 : i32
    %dma_wait3A_82 = arith.constant 0 : i32
    %dma_wait3A_83 = tpu.memref_slice %arg2[%dma_wait3A_81, %dma_wait3A_82] : memref<1000000x128xf32, #tpu.memory_space<hbm>> -> memref<128x128xf32, #tpu.memory_space<hbm>>
    tpu.wait_dma2 semaphore(%arg13 : memref<!tpu.dma_semaphore, #tpu.memory_space<semaphore_mem>>) src(%dma_wait3A_83 : memref<128x128xf32, #tpu.memory_space<hbm>>) dst(%arg9 : memref<128x128xf32, #tpu.memory_space<vmem>>)
    %add3A_84 = arith.constant 384 : i32
    %add3A_85 = arith.addi %mul3A_2, %add3A_84 : i32
    %dma_start3A_86 = arith.constant 0 : i32
    %dma_start3A_87 = tpu.memref_slice %arg4[%add3A_85, %dma_start3A_86] : memref<425984x128xf32, #tpu.memory_space<hbm>> -> memref<128x128xf32, #tpu.memory_space<hbm>>
    %dma_start3A_88 = arith.constant 0 : i32
    %dma_start3A_89 = tpu.memref_slice %arg4[%add3A_85, %dma_start3A_88] : memref<425984x128xf32, #tpu.memory_space<hbm>> -> memref<128x128xf32, #tpu.memory_space<hbm>>
    tpu.enqueue_dma source(%arg9 : memref<128x128xf32, #tpu.memory_space<vmem>>) target(%dma_start3A_89 : memref<128x128xf32, #tpu.memory_space<hbm>>) target_semaphore(%arg17 : memref<!tpu.dma_semaphore, #tpu.memory_space<semaphore_mem>>)
    %dma_wait3A_90 = arith.constant 0 : i32
    %dma_wait3A_91 = arith.constant 0 : i32
    %dma_wait3A_92 = tpu.memref_slice %arg4[%dma_wait3A_90, %dma_wait3A_91] : memref<425984x128xf32, #tpu.memory_space<hbm>> -> memref<128x128xf32, #tpu.memory_space<hbm>>
    %dma_wait3A_93 = arith.constant 0 : i32
    %dma_wait3A_94 = arith.constant 0 : i32
    %dma_wait3A_95 = tpu.memref_slice %arg4[%dma_wait3A_93, %dma_wait3A_94] : memref<425984x128xf32, #tpu.memory_space<hbm>> -> memref<128x128xf32, #tpu.memory_space<hbm>>
    tpu.wait_dma2 semaphore(%arg15 : memref<!tpu.dma_semaphore, #tpu.memory_space<semaphore_mem>>) src(%arg7 : memref<128x128xf32, #tpu.memory_space<vmem>>) dst(%dma_wait3A_95 : memref<128x128xf32, #tpu.memory_space<hbm>>)
    %dma_start3A_96 = arith.constant 5 : i32
    %dma_start3A_97 = arith.constant 0 : i32
    %dma_start3A_98 = tpu.memref_slice %arg5[%dma_start3A_96, %dma_start3A_97] : memref<104x128xi32, #tpu.memory_space<vmem>> -> memref<1x128xi32, #tpu.memory_space<vmem>>
    %dma_start3A_99 = tpu.memref_squeeze %dma_start3A_98 : memref<1x128xi32, #tpu.memory_space<vmem>> -> memref<128xi32, #tpu.memory_space<vmem>>
    %dma_start3A_100 = arith.constant 0 : i32
    %dma_start3A_101 = arith.constant 0 : i32
    %dma_start3A_102 = tpu.memref_slice %arg2[%dma_start3A_100, %dma_start3A_101] : memref<1000000x128xf32, #tpu.memory_space<hbm>> -> memref<1000000x128xf32, #tpu.memory_space<hbm>>
    tpu.enqueue_indirect_dma source(%dma_start3A_102 : memref<1000000x128xf32, #tpu.memory_space<hbm>>) target(%arg7 : memref<128x128xf32, #tpu.memory_space<vmem>>) offsets(%dma_start3A_99 : memref<128xi32, #tpu.memory_space<vmem>>) semaphore(%arg11 : memref<!tpu.dma_semaphore, #tpu.memory_space<semaphore_mem>>)
    %scan3A = arith.constant 0 : i32
    %scan3A_103 = arith.constant 1 : i32
    %scan3A_104 = arith.constant 24 : i32
    %scan3A_105 = arith.addi %scan3A_103, %scan3A_104 : i32
    %scan3A_106 = arith.constant 1 : i32
    scf.for %scan3A_206 = %scan3A_103 to %scan3A_105 step %scan3A_106  : i32 {
      %mul3A_207 = arith.constant 4 : i32
      %mul3A_208 = arith.muli %scan3A_206, %mul3A_207 : i32
      %dma_wait3A_209 = arith.constant 0 : i32
      %dma_wait3A_210 = arith.constant 0 : i32
      %dma_wait3A_211 = tpu.memref_slice %arg2[%dma_wait3A_209, %dma_wait3A_210] : memref<1000000x128xf32, #tpu.memory_space<hbm>> -> memref<128x128xf32, #tpu.memory_space<hbm>>
      %dma_wait3A_212 = arith.constant 0 : i32
      %dma_wait3A_213 = arith.constant 0 : i32
      %dma_wait3A_214 = tpu.memref_slice %arg2[%dma_wait3A_212, %dma_wait3A_213] : memref<1000000x128xf32, #tpu.memory_space<hbm>> -> memref<128x128xf32, #tpu.memory_space<hbm>>
      tpu.wait_dma2 semaphore(%arg10 : memref<!tpu.dma_semaphore, #tpu.memory_space<semaphore_mem>>) src(%dma_wait3A_214 : memref<128x128xf32, #tpu.memory_space<hbm>>) dst(%arg6 : memref<128x128xf32, #tpu.memory_space<vmem>>)
      %add3A_215 = arith.constant 0 : i32
      %add3A_216 = arith.addi %mul3A_208, %add3A_215 : i32
      %mul3A_217 = arith.constant 128 : i32
      %mul3A_218 = arith.muli %add3A_216, %mul3A_217 : i32
      %add3A_219 = arith.addi %mul3A_2, %mul3A_218 : i32
      %dma_start3A_220 = arith.constant 0 : i32
      %dma_start3A_221 = tpu.memref_slice %arg4[%add3A_219, %dma_start3A_220] : memref<425984x128xf32, #tpu.memory_space<hbm>> -> memref<128x128xf32, #tpu.memory_space<hbm>>
      %dma_start3A_222 = arith.constant 0 : i32
      %dma_start3A_223 = tpu.memref_slice %arg4[%add3A_219, %dma_start3A_222] : memref<425984x128xf32, #tpu.memory_space<hbm>> -> memref<128x128xf32, #tpu.memory_space<hbm>>
      tpu.enqueue_dma source(%arg6 : memref<128x128xf32, #tpu.memory_space<vmem>>) target(%dma_start3A_223 : memref<128x128xf32, #tpu.memory_space<hbm>>) target_semaphore(%arg14 : memref<!tpu.dma_semaphore, #tpu.memory_space<semaphore_mem>>)
      %dma_wait3A_224 = arith.constant 0 : i32
      %dma_wait3A_225 = arith.constant 0 : i32
      %dma_wait3A_226 = tpu.memref_slice %arg4[%dma_wait3A_224, %dma_wait3A_225] : memref<425984x128xf32, #tpu.memory_space<hbm>> -> memref<128x128xf32, #tpu.memory_space<hbm>>
      %dma_wait3A_227 = arith.constant 0 : i32
      %dma_wait3A_228 = arith.constant 0 : i32
      %dma_wait3A_229 = tpu.memref_slice %arg4[%dma_wait3A_227, %dma_wait3A_228] : memref<425984x128xf32, #tpu.memory_space<hbm>> -> memref<128x128xf32, #tpu.memory_space<hbm>>
      tpu.wait_dma2 semaphore(%arg16 : memref<!tpu.dma_semaphore, #tpu.memory_space<semaphore_mem>>) src(%arg8 : memref<128x128xf32, #tpu.memory_space<vmem>>) dst(%dma_wait3A_229 : memref<128x128xf32, #tpu.memory_space<hbm>>)
      %add3A_230 = arith.constant 0 : i32
      %add3A_231 = arith.addi %mul3A_208, %add3A_230 : i32
      %add3A_232 = arith.constant 2 : i32
      %add3A_233 = arith.addi %add3A_231, %add3A_232 : i32
      %dma_start3A_234 = arith.constant 0 : i32
      %dma_start3A_235 = tpu.memref_slice %arg5[%add3A_233, %dma_start3A_234] : memref<104x128xi32, #tpu.memory_space<vmem>> -> memref<1x128xi32, #tpu.memory_space<vmem>>
      %dma_start3A_236 = tpu.memref_squeeze %dma_start3A_235 : memref<1x128xi32, #tpu.memory_space<vmem>> -> memref<128xi32, #tpu.memory_space<vmem>>
      %dma_start3A_237 = arith.constant 0 : i32
      %dma_start3A_238 = arith.constant 0 : i32
      %dma_start3A_239 = tpu.memref_slice %arg2[%dma_start3A_237, %dma_start3A_238] : memref<1000000x128xf32, #tpu.memory_space<hbm>> -> memref<1000000x128xf32, #tpu.memory_space<hbm>>
      tpu.enqueue_indirect_dma source(%dma_start3A_239 : memref<1000000x128xf32, #tpu.memory_space<hbm>>) target(%arg8 : memref<128x128xf32, #tpu.memory_space<vmem>>) offsets(%dma_start3A_236 : memref<128xi32, #tpu.memory_space<vmem>>) semaphore(%arg12 : memref<!tpu.dma_semaphore, #tpu.memory_space<semaphore_mem>>)
      %dma_wait3A_240 = arith.constant 0 : i32
      %dma_wait3A_241 = arith.constant 0 : i32
      %dma_wait3A_242 = tpu.memref_slice %arg2[%dma_wait3A_240, %dma_wait3A_241] : memref<1000000x128xf32, #tpu.memory_space<hbm>> -> memref<128x128xf32, #tpu.memory_space<hbm>>
      %dma_wait3A_243 = arith.constant 0 : i32
      %dma_wait3A_244 = arith.constant 0 : i32
      %dma_wait3A_245 = tpu.memref_slice %arg2[%dma_wait3A_243, %dma_wait3A_244] : memref<1000000x128xf32, #tpu.memory_space<hbm>> -> memref<128x128xf32, #tpu.memory_space<hbm>>
      tpu.wait_dma2 semaphore(%arg11 : memref<!tpu.dma_semaphore, #tpu.memory_space<semaphore_mem>>) src(%dma_wait3A_245 : memref<128x128xf32, #tpu.memory_space<hbm>>) dst(%arg7 : memref<128x128xf32, #tpu.memory_space<vmem>>)
      %add3A_246 = arith.constant 1 : i32
      %add3A_247 = arith.addi %mul3A_208, %add3A_246 : i32
      %mul3A_248 = arith.constant 128 : i32
      %mul3A_249 = arith.muli %add3A_247, %mul3A_248 : i32
      %add3A_250 = arith.addi %mul3A_2, %mul3A_249 : i32
      %dma_start3A_251 = arith.constant 0 : i32
      %dma_start3A_252 = tpu.memref_slice %arg4[%add3A_250, %dma_start3A_251] : memref<425984x128xf32, #tpu.memory_space<hbm>> -> memref<128x128xf32, #tpu.memory_space<hbm>>
      %dma_start3A_253 = arith.constant 0 : i32
      %dma_start3A_254 = tpu.memref_slice %arg4[%add3A_250, %dma_start3A_253] : memref<425984x128xf32, #tpu.memory_space<hbm>> -> memref<128x128xf32, #tpu.memory_space<hbm>>
      tpu.enqueue_dma source(%arg7 : memref<128x128xf32, #tpu.memory_space<vmem>>) target(%dma_start3A_254 : memref<128x128xf32, #tpu.memory_space<hbm>>) target_semaphore(%arg15 : memref<!tpu.dma_semaphore, #tpu.memory_space<semaphore_mem>>)
      %dma_wait3A_255 = arith.constant 0 : i32
      %dma_wait3A_256 = arith.constant 0 : i32
      %dma_wait3A_257 = tpu.memref_slice %arg4[%dma_wait3A_255, %dma_wait3A_256] : memref<425984x128xf32, #tpu.memory_space<hbm>> -> memref<128x128xf32, #tpu.memory_space<hbm>>
      %dma_wait3A_258 = arith.constant 0 : i32
      %dma_wait3A_259 = arith.constant 0 : i32
      %dma_wait3A_260 = tpu.memref_slice %arg4[%dma_wait3A_258, %dma_wait3A_259] : memref<425984x128xf32, #tpu.memory_space<hbm>> -> memref<128x128xf32, #tpu.memory_space<hbm>>
      tpu.wait_dma2 semaphore(%arg17 : memref<!tpu.dma_semaphore, #tpu.memory_space<semaphore_mem>>) src(%arg9 : memref<128x128xf32, #tpu.memory_space<vmem>>) dst(%dma_wait3A_260 : memref<128x128xf32, #tpu.memory_space<hbm>>)
      %add3A_261 = arith.constant 1 : i32
      %add3A_262 = arith.addi %mul3A_208, %add3A_261 : i32
      %add3A_263 = arith.constant 2 : i32
      %add3A_264 = arith.addi %add3A_262, %add3A_263 : i32
      %dma_start3A_265 = arith.constant 0 : i32
      %dma_start3A_266 = tpu.memref_slice %arg5[%add3A_264, %dma_start3A_265] : memref<104x128xi32, #tpu.memory_space<vmem>> -> memref<1x128xi32, #tpu.memory_space<vmem>>
      %dma_start3A_267 = tpu.memref_squeeze %dma_start3A_266 : memref<1x128xi32, #tpu.memory_space<vmem>> -> memref<128xi32, #tpu.memory_space<vmem>>
      %dma_start3A_268 = arith.constant 0 : i32
      %dma_start3A_269 = arith.constant 0 : i32
      %dma_start3A_270 = tpu.memref_slice %arg2[%dma_start3A_268, %dma_start3A_269] : memref<1000000x128xf32, #tpu.memory_space<hbm>> -> memref<1000000x128xf32, #tpu.memory_space<hbm>>
      tpu.enqueue_indirect_dma source(%dma_start3A_270 : memref<1000000x128xf32, #tpu.memory_space<hbm>>) target(%arg9 : memref<128x128xf32, #tpu.memory_space<vmem>>) offsets(%dma_start3A_267 : memref<128xi32, #tpu.memory_space<vmem>>) semaphore(%arg13 : memref<!tpu.dma_semaphore, #tpu.memory_space<semaphore_mem>>)
      %dma_wait3A_271 = arith.constant 0 : i32
      %dma_wait3A_272 = arith.constant 0 : i32
      %dma_wait3A_273 = tpu.memref_slice %arg2[%dma_wait3A_271, %dma_wait3A_272] : memref<1000000x128xf32, #tpu.memory_space<hbm>> -> memref<128x128xf32, #tpu.memory_space<hbm>>
      %dma_wait3A_274 = arith.constant 0 : i32
      %dma_wait3A_275 = arith.constant 0 : i32
      %dma_wait3A_276 = tpu.memref_slice %arg2[%dma_wait3A_274, %dma_wait3A_275] : memref<1000000x128xf32, #tpu.memory_space<hbm>> -> memref<128x128xf32, #tpu.memory_space<hbm>>
      tpu.wait_dma2 semaphore(%arg12 : memref<!tpu.dma_semaphore, #tpu.memory_space<semaphore_mem>>) src(%dma_wait3A_276 : memref<128x128xf32, #tpu.memory_space<hbm>>) dst(%arg8 : memref<128x128xf32, #tpu.memory_space<vmem>>)
      %add3A_277 = arith.constant 2 : i32
      %add3A_278 = arith.addi %mul3A_208, %add3A_277 : i32
      %mul3A_279 = arith.constant 128 : i32
      %mul3A_280 = arith.muli %add3A_278, %mul3A_279 : i32
      %add3A_281 = arith.addi %mul3A_2, %mul3A_280 : i32
      %dma_start3A_282 = arith.constant 0 : i32
      %dma_start3A_283 = tpu.memref_slice %arg4[%add3A_281, %dma_start3A_282] : memref<425984x128xf32, #tpu.memory_space<hbm>> -> memref<128x128xf32, #tpu.memory_space<hbm>>
      %dma_start3A_284 = arith.constant 0 : i32
      %dma_start3A_285 = tpu.memref_slice %arg4[%add3A_281, %dma_start3A_284] : memref<425984x128xf32, #tpu.memory_space<hbm>> -> memref<128x128xf32, #tpu.memory_space<hbm>>
      tpu.enqueue_dma source(%arg8 : memref<128x128xf32, #tpu.memory_space<vmem>>) target(%dma_start3A_285 : memref<128x128xf32, #tpu.memory_space<hbm>>) target_semaphore(%arg16 : memref<!tpu.dma_semaphore, #tpu.memory_space<semaphore_mem>>)
      %dma_wait3A_286 = arith.constant 0 : i32
      %dma_wait3A_287 = arith.constant 0 : i32
      %dma_wait3A_288 = tpu.memref_slice %arg4[%dma_wait3A_286, %dma_wait3A_287] : memref<425984x128xf32, #tpu.memory_space<hbm>> -> memref<128x128xf32, #tpu.memory_space<hbm>>
      %dma_wait3A_289 = arith.constant 0 : i32
      %dma_wait3A_290 = arith.constant 0 : i32
      %dma_wait3A_291 = tpu.memref_slice %arg4[%dma_wait3A_289, %dma_wait3A_290] : memref<425984x128xf32, #tpu.memory_space<hbm>> -> memref<128x128xf32, #tpu.memory_space<hbm>>
      tpu.wait_dma2 semaphore(%arg14 : memref<!tpu.dma_semaphore, #tpu.memory_space<semaphore_mem>>) src(%arg6 : memref<128x128xf32, #tpu.memory_space<vmem>>) dst(%dma_wait3A_291 : memref<128x128xf32, #tpu.memory_space<hbm>>)
      %add3A_292 = arith.constant 2 : i32
      %add3A_293 = arith.addi %mul3A_208, %add3A_292 : i32
      %add3A_294 = arith.constant 2 : i32
      %add3A_295 = arith.addi %add3A_293, %add3A_294 : i32
      %dma_start3A_296 = arith.constant 0 : i32
      %dma_start3A_297 = tpu.memref_slice %arg5[%add3A_295, %dma_start3A_296] : memref<104x128xi32, #tpu.memory_space<vmem>> -> memref<1x128xi32, #tpu.memory_space<vmem>>
      %dma_start3A_298 = tpu.memref_squeeze %dma_start3A_297 : memref<1x128xi32, #tpu.memory_space<vmem>> -> memref<128xi32, #tpu.memory_space<vmem>>
      %dma_start3A_299 = arith.constant 0 : i32
      %dma_start3A_300 = arith.constant 0 : i32
      %dma_start3A_301 = tpu.memref_slice %arg2[%dma_start3A_299, %dma_start3A_300] : memref<1000000x128xf32, #tpu.memory_space<hbm>> -> memref<1000000x128xf32, #tpu.memory_space<hbm>>
      tpu.enqueue_indirect_dma source(%dma_start3A_301 : memref<1000000x128xf32, #tpu.memory_space<hbm>>) target(%arg6 : memref<128x128xf32, #tpu.memory_space<vmem>>) offsets(%dma_start3A_298 : memref<128xi32, #tpu.memory_space<vmem>>) semaphore(%arg10 : memref<!tpu.dma_semaphore, #tpu.memory_space<semaphore_mem>>)
      %dma_wait3A_302 = arith.constant 0 : i32
      %dma_wait3A_303 = arith.constant 0 : i32
      %dma_wait3A_304 = tpu.memref_slice %arg2[%dma_wait3A_302, %dma_wait3A_303] : memref<1000000x128xf32, #tpu.memory_space<hbm>> -> memref<128x128xf32, #tpu.memory_space<hbm>>
      %dma_wait3A_305 = arith.constant 0 : i32
      %dma_wait3A_306 = arith.constant 0 : i32
      %dma_wait3A_307 = tpu.memref_slice %arg2[%dma_wait3A_305, %dma_wait3A_306] : memref<1000000x128xf32, #tpu.memory_space<hbm>> -> memref<128x128xf32, #tpu.memory_space<hbm>>
      tpu.wait_dma2 semaphore(%arg13 : memref<!tpu.dma_semaphore, #tpu.memory_space<semaphore_mem>>) src(%dma_wait3A_307 : memref<128x128xf32, #tpu.memory_space<hbm>>) dst(%arg9 : memref<128x128xf32, #tpu.memory_space<vmem>>)
      %add3A_308 = arith.constant 3 : i32
      %add3A_309 = arith.addi %mul3A_208, %add3A_308 : i32
      %mul3A_310 = arith.constant 128 : i32
      %mul3A_311 = arith.muli %add3A_309, %mul3A_310 : i32
      %add3A_312 = arith.addi %mul3A_2, %mul3A_311 : i32
      %dma_start3A_313 = arith.constant 0 : i32
      %dma_start3A_314 = tpu.memref_slice %arg4[%add3A_312, %dma_start3A_313] : memref<425984x128xf32, #tpu.memory_space<hbm>> -> memref<128x128xf32, #tpu.memory_space<hbm>>
      %dma_start3A_315 = arith.constant 0 : i32
      %dma_start3A_316 = tpu.memref_slice %arg4[%add3A_312, %dma_start3A_315] : memref<425984x128xf32, #tpu.memory_space<hbm>> -> memref<128x128xf32, #tpu.memory_space<hbm>>
      tpu.enqueue_dma source(%arg9 : memref<128x128xf32, #tpu.memory_space<vmem>>) target(%dma_start3A_316 : memref<128x128xf32, #tpu.memory_space<hbm>>) target_semaphore(%arg17 : memref<!tpu.dma_semaphore, #tpu.memory_space<semaphore_mem>>)
      %dma_wait3A_317 = arith.constant 0 : i32
      %dma_wait3A_318 = arith.constant 0 : i32
      %dma_wait3A_319 = tpu.memref_slice %arg4[%dma_wait3A_317, %dma_wait3A_318] : memref<425984x128xf32, #tpu.memory_space<hbm>> -> memref<128x128xf32, #tpu.memory_space<hbm>>
      %dma_wait3A_320 = arith.constant 0 : i32
      %dma_wait3A_321 = arith.constant 0 : i32
      %dma_wait3A_322 = tpu.memref_slice %arg4[%dma_wait3A_320, %dma_wait3A_321] : memref<425984x128xf32, #tpu.memory_space<hbm>> -> memref<128x128xf32, #tpu.memory_space<hbm>>
      tpu.wait_dma2 semaphore(%arg15 : memref<!tpu.dma_semaphore, #tpu.memory_space<semaphore_mem>>) src(%arg7 : memref<128x128xf32, #tpu.memory_space<vmem>>) dst(%dma_wait3A_322 : memref<128x128xf32, #tpu.memory_space<hbm>>)
      %add3A_323 = arith.constant 3 : i32
      %add3A_324 = arith.addi %mul3A_208, %add3A_323 : i32
      %add3A_325 = arith.constant 2 : i32
      %add3A_326 = arith.addi %add3A_324, %add3A_325 : i32
      %dma_start3A_327 = arith.constant 0 : i32
      %dma_start3A_328 = tpu.memref_slice %arg5[%add3A_326, %dma_start3A_327] : memref<104x128xi32, #tpu.memory_space<vmem>> -> memref<1x128xi32, #tpu.memory_space<vmem>>
      %dma_start3A_329 = tpu.memref_squeeze %dma_start3A_328 : memref<1x128xi32, #tpu.memory_space<vmem>> -> memref<128xi32, #tpu.memory_space<vmem>>
      %dma_start3A_330 = arith.constant 0 : i32
      %dma_start3A_331 = arith.constant 0 : i32
      %dma_start3A_332 = tpu.memref_slice %arg2[%dma_start3A_330, %dma_start3A_331] : memref<1000000x128xf32, #tpu.memory_space<hbm>> -> memref<1000000x128xf32, #tpu.memory_space<hbm>>
      tpu.enqueue_indirect_dma source(%dma_start3A_332 : memref<1000000x128xf32, #tpu.memory_space<hbm>>) target(%arg7 : memref<128x128xf32, #tpu.memory_space<vmem>>) offsets(%dma_start3A_329 : memref<128xi32, #tpu.memory_space<vmem>>) semaphore(%arg11 : memref<!tpu.dma_semaphore, #tpu.memory_space<semaphore_mem>>)
    }
    %scan3A_107 = arith.constant 24 : i32
    %dma_wait3A_108 = arith.constant 0 : i32
    %dma_wait3A_109 = arith.constant 0 : i32
    %dma_wait3A_110 = tpu.memref_slice %arg2[%dma_wait3A_108, %dma_wait3A_109] : memref<1000000x128xf32, #tpu.memory_space<hbm>> -> memref<128x128xf32, #tpu.memory_space<hbm>>
    %dma_wait3A_111 = arith.constant 0 : i32
    %dma_wait3A_112 = arith.constant 0 : i32
    %dma_wait3A_113 = tpu.memref_slice %arg2[%dma_wait3A_111, %dma_wait3A_112] : memref<1000000x128xf32, #tpu.memory_space<hbm>> -> memref<128x128xf32, #tpu.memory_space<hbm>>
    tpu.wait_dma2 semaphore(%arg10 : memref<!tpu.dma_semaphore, #tpu.memory_space<semaphore_mem>>) src(%dma_wait3A_113 : memref<128x128xf32, #tpu.memory_space<hbm>>) dst(%arg6 : memref<128x128xf32, #tpu.memory_space<vmem>>)
    %add3A_114 = arith.constant 12800 : i32
    %add3A_115 = arith.addi %mul3A_2, %add3A_114 : i32
    %dma_start3A_116 = arith.constant 0 : i32
    %dma_start3A_117 = tpu.memref_slice %arg4[%add3A_115, %dma_start3A_116] : memref<425984x128xf32, #tpu.memory_space<hbm>> -> memref<128x128xf32, #tpu.memory_space<hbm>>
    %dma_start3A_118 = arith.constant 0 : i32
    %dma_start3A_119 = tpu.memref_slice %arg4[%add3A_115, %dma_start3A_118] : memref<425984x128xf32, #tpu.memory_space<hbm>> -> memref<128x128xf32, #tpu.memory_space<hbm>>
    tpu.enqueue_dma source(%arg6 : memref<128x128xf32, #tpu.memory_space<vmem>>) target(%dma_start3A_119 : memref<128x128xf32, #tpu.memory_space<hbm>>) target_semaphore(%arg14 : memref<!tpu.dma_semaphore, #tpu.memory_space<semaphore_mem>>)
    %dma_wait3A_120 = arith.constant 0 : i32
    %dma_wait3A_121 = arith.constant 0 : i32
    %dma_wait3A_122 = tpu.memref_slice %arg4[%dma_wait3A_120, %dma_wait3A_121] : memref<425984x128xf32, #tpu.memory_space<hbm>> -> memref<128x128xf32, #tpu.memory_space<hbm>>
    %dma_wait3A_123 = arith.constant 0 : i32
    %dma_wait3A_124 = arith.constant 0 : i32
    %dma_wait3A_125 = tpu.memref_slice %arg4[%dma_wait3A_123, %dma_wait3A_124] : memref<425984x128xf32, #tpu.memory_space<hbm>> -> memref<128x128xf32, #tpu.memory_space<hbm>>
    tpu.wait_dma2 semaphore(%arg16 : memref<!tpu.dma_semaphore, #tpu.memory_space<semaphore_mem>>) src(%arg8 : memref<128x128xf32, #tpu.memory_space<vmem>>) dst(%dma_wait3A_125 : memref<128x128xf32, #tpu.memory_space<hbm>>)
    %dma_start3A_126 = arith.constant 102 : i32
    %dma_start3A_127 = arith.constant 0 : i32
    %dma_start3A_128 = tpu.memref_slice %arg5[%dma_start3A_126, %dma_start3A_127] : memref<104x128xi32, #tpu.memory_space<vmem>> -> memref<1x128xi32, #tpu.memory_space<vmem>>
    %dma_start3A_129 = tpu.memref_squeeze %dma_start3A_128 : memref<1x128xi32, #tpu.memory_space<vmem>> -> memref<128xi32, #tpu.memory_space<vmem>>
    %dma_start3A_130 = arith.constant 0 : i32
    %dma_start3A_131 = arith.constant 0 : i32
    %dma_start3A_132 = tpu.memref_slice %arg2[%dma_start3A_130, %dma_start3A_131] : memref<1000000x128xf32, #tpu.memory_space<hbm>> -> memref<1000000x128xf32, #tpu.memory_space<hbm>>
    tpu.enqueue_indirect_dma source(%dma_start3A_132 : memref<1000000x128xf32, #tpu.memory_space<hbm>>) target(%arg8 : memref<128x128xf32, #tpu.memory_space<vmem>>) offsets(%dma_start3A_129 : memref<128xi32, #tpu.memory_space<vmem>>) semaphore(%arg12 : memref<!tpu.dma_semaphore, #tpu.memory_space<semaphore_mem>>)
    %dma_wait3A_133 = arith.constant 0 : i32
    %dma_wait3A_134 = arith.constant 0 : i32
    %dma_wait3A_135 = tpu.memref_slice %arg2[%dma_wait3A_133, %dma_wait3A_134] : memref<1000000x128xf32, #tpu.memory_space<hbm>> -> memref<128x128xf32, #tpu.memory_space<hbm>>
    %dma_wait3A_136 = arith.constant 0 : i32
    %dma_wait3A_137 = arith.constant 0 : i32
    %dma_wait3A_138 = tpu.memref_slice %arg2[%dma_wait3A_136, %dma_wait3A_137] : memref<1000000x128xf32, #tpu.memory_space<hbm>> -> memref<128x128xf32, #tpu.memory_space<hbm>>
    tpu.wait_dma2 semaphore(%arg11 : memref<!tpu.dma_semaphore, #tpu.memory_space<semaphore_mem>>) src(%dma_wait3A_138 : memref<128x128xf32, #tpu.memory_space<hbm>>) dst(%arg7 : memref<128x128xf32, #tpu.memory_space<vmem>>)
    %add3A_139 = arith.constant 12928 : i32
    %add3A_140 = arith.addi %mul3A_2, %add3A_139 : i32
    %dma_start3A_141 = arith.constant 0 : i32
    %dma_start3A_142 = tpu.memref_slice %arg4[%add3A_140, %dma_start3A_141] : memref<425984x128xf32, #tpu.memory_space<hbm>> -> memref<128x128xf32, #tpu.memory_space<hbm>>
    %dma_start3A_143 = arith.constant 0 : i32
    %dma_start3A_144 = tpu.memref_slice %arg4[%add3A_140, %dma_start3A_143] : memref<425984x128xf32, #tpu.memory_space<hbm>> -> memref<128x128xf32, #tpu.memory_space<hbm>>
    tpu.enqueue_dma source(%arg7 : memref<128x128xf32, #tpu.memory_space<vmem>>) target(%dma_start3A_144 : memref<128x128xf32, #tpu.memory_space<hbm>>) target_semaphore(%arg15 : memref<!tpu.dma_semaphore, #tpu.memory_space<semaphore_mem>>)
    %dma_wait3A_145 = arith.constant 0 : i32
    %dma_wait3A_146 = arith.constant 0 : i32
    %dma_wait3A_147 = tpu.memref_slice %arg4[%dma_wait3A_145, %dma_wait3A_146] : memref<425984x128xf32, #tpu.memory_space<hbm>> -> memref<128x128xf32, #tpu.memory_space<hbm>>
    %dma_wait3A_148 = arith.constant 0 : i32
    %dma_wait3A_149 = arith.constant 0 : i32
    %dma_wait3A_150 = tpu.memref_slice %arg4[%dma_wait3A_148, %dma_wait3A_149] : memref<425984x128xf32, #tpu.memory_space<hbm>> -> memref<128x128xf32, #tpu.memory_space<hbm>>
    tpu.wait_dma2 semaphore(%arg17 : memref<!tpu.dma_semaphore, #tpu.memory_space<semaphore_mem>>) src(%arg9 : memref<128x128xf32, #tpu.memory_space<vmem>>) dst(%dma_wait3A_150 : memref<128x128xf32, #tpu.memory_space<hbm>>)
    %dma_start3A_151 = arith.constant 103 : i32
    %dma_start3A_152 = arith.constant 0 : i32
    %dma_start3A_153 = tpu.memref_slice %arg5[%dma_start3A_151, %dma_start3A_152] : memref<104x128xi32, #tpu.memory_space<vmem>> -> memref<1x128xi32, #tpu.memory_space<vmem>>
    %dma_start3A_154 = tpu.memref_squeeze %dma_start3A_153 : memref<1x128xi32, #tpu.memory_space<vmem>> -> memref<128xi32, #tpu.memory_space<vmem>>
    %dma_start3A_155 = arith.constant 0 : i32
    %dma_start3A_156 = arith.constant 0 : i32
    %dma_start3A_157 = tpu.memref_slice %arg2[%dma_start3A_155, %dma_start3A_156] : memref<1000000x128xf32, #tpu.memory_space<hbm>> -> memref<1000000x128xf32, #tpu.memory_space<hbm>>
    tpu.enqueue_indirect_dma source(%dma_start3A_157 : memref<1000000x128xf32, #tpu.memory_space<hbm>>) target(%arg9 : memref<128x128xf32, #tpu.memory_space<vmem>>) offsets(%dma_start3A_154 : memref<128xi32, #tpu.memory_space<vmem>>) semaphore(%arg13 : memref<!tpu.dma_semaphore, #tpu.memory_space<semaphore_mem>>)
    %dma_wait3A_158 = arith.constant 0 : i32
    %dma_wait3A_159 = arith.constant 0 : i32
    %dma_wait3A_160 = tpu.memref_slice %arg2[%dma_wait3A_158, %dma_wait3A_159] : memref<1000000x128xf32, #tpu.memory_space<hbm>> -> memref<128x128xf32, #tpu.memory_space<hbm>>
    %dma_wait3A_161 = arith.constant 0 : i32
    %dma_wait3A_162 = arith.constant 0 : i32
    %dma_wait3A_163 = tpu.memref_slice %arg2[%dma_wait3A_161, %dma_wait3A_162] : memref<1000000x128xf32, #tpu.memory_space<hbm>> -> memref<128x128xf32, #tpu.memory_space<hbm>>
    tpu.wait_dma2 semaphore(%arg12 : memref<!tpu.dma_semaphore, #tpu.memory_space<semaphore_mem>>) src(%dma_wait3A_163 : memref<128x128xf32, #tpu.memory_space<hbm>>) dst(%arg8 : memref<128x128xf32, #tpu.memory_space<vmem>>)
    %add3A_164 = arith.constant 13056 : i32
    %add3A_165 = arith.addi %mul3A_2, %add3A_164 : i32
    %dma_start3A_166 = arith.constant 0 : i32
    %dma_start3A_167 = tpu.memref_slice %arg4[%add3A_165, %dma_start3A_166] : memref<425984x128xf32, #tpu.memory_space<hbm>> -> memref<128x128xf32, #tpu.memory_space<hbm>>
    %dma_start3A_168 = arith.constant 0 : i32
    %dma_start3A_169 = tpu.memref_slice %arg4[%add3A_165, %dma_start3A_168] : memref<425984x128xf32, #tpu.memory_space<hbm>> -> memref<128x128xf32, #tpu.memory_space<hbm>>
    tpu.enqueue_dma source(%arg8 : memref<128x128xf32, #tpu.memory_space<vmem>>) target(%dma_start3A_169 : memref<128x128xf32, #tpu.memory_space<hbm>>) target_semaphore(%arg16 : memref<!tpu.dma_semaphore, #tpu.memory_space<semaphore_mem>>)
    %dma_wait3A_170 = arith.constant 0 : i32
    %dma_wait3A_171 = arith.constant 0 : i32
    %dma_wait3A_172 = tpu.memref_slice %arg2[%dma_wait3A_170, %dma_wait3A_171] : memref<1000000x128xf32, #tpu.memory_space<hbm>> -> memref<128x128xf32, #tpu.memory_space<hbm>>
    %dma_wait3A_173 = arith.constant 0 : i32
    %dma_wait3A_174 = arith.constant 0 : i32
    %dma_wait3A_175 = tpu.memref_slice %arg2[%dma_wait3A_173, %dma_wait3A_174] : memref<1000000x128xf32, #tpu.memory_space<hbm>> -> memref<128x128xf32, #tpu.memory_space<hbm>>
    tpu.wait_dma2 semaphore(%arg13 : memref<!tpu.dma_semaphore, #tpu.memory_space<semaphore_mem>>) src(%dma_wait3A_175 : memref<128x128xf32, #tpu.memory_space<hbm>>) dst(%arg9 : memref<128x128xf32, #tpu.memory_space<vmem>>)
    %add3A_176 = arith.constant 13184 : i32
    %add3A_177 = arith.addi %mul3A_2, %add3A_176 : i32
    %dma_start3A_178 = arith.constant 0 : i32
    %dma_start3A_179 = tpu.memref_slice %arg4[%add3A_177, %dma_start3A_178] : memref<425984x128xf32, #tpu.memory_space<hbm>> -> memref<128x128xf32, #tpu.memory_space<hbm>>
    %dma_start3A_180 = arith.constant 0 : i32
    %dma_start3A_181 = tpu.memref_slice %arg4[%add3A_177, %dma_start3A_180] : memref<425984x128xf32, #tpu.memory_space<hbm>> -> memref<128x128xf32, #tpu.memory_space<hbm>>
    tpu.enqueue_dma source(%arg9 : memref<128x128xf32, #tpu.memory_space<vmem>>) target(%dma_start3A_181 : memref<128x128xf32, #tpu.memory_space<hbm>>) target_semaphore(%arg17 : memref<!tpu.dma_semaphore, #tpu.memory_space<semaphore_mem>>)
    %dma_wait3A_182 = arith.constant 0 : i32
    %dma_wait3A_183 = arith.constant 0 : i32
    %dma_wait3A_184 = tpu.memref_slice %arg4[%dma_wait3A_182, %dma_wait3A_183] : memref<425984x128xf32, #tpu.memory_space<hbm>> -> memref<128x128xf32, #tpu.memory_space<hbm>>
    %dma_wait3A_185 = arith.constant 0 : i32
    %dma_wait3A_186 = arith.constant 0 : i32
    %dma_wait3A_187 = tpu.memref_slice %arg4[%dma_wait3A_185, %dma_wait3A_186] : memref<425984x128xf32, #tpu.memory_space<hbm>> -> memref<128x128xf32, #tpu.memory_space<hbm>>
    tpu.wait_dma2 semaphore(%arg14 : memref<!tpu.dma_semaphore, #tpu.memory_space<semaphore_mem>>) src(%arg6 : memref<128x128xf32, #tpu.memory_space<vmem>>) dst(%dma_wait3A_187 : memref<128x128xf32, #tpu.memory_space<hbm>>)
    %dma_wait3A_188 = arith.constant 0 : i32
    %dma_wait3A_189 = arith.constant 0 : i32
    %dma_wait3A_190 = tpu.memref_slice %arg4[%dma_wait3A_188, %dma_wait3A_189] : memref<425984x128xf32, #tpu.memory_space<hbm>> -> memref<128x128xf32, #tpu.memory_space<hbm>>
    %dma_wait3A_191 = arith.constant 0 : i32
    %dma_wait3A_192 = arith.constant 0 : i32
    %dma_wait3A_193 = tpu.memref_slice %arg4[%dma_wait3A_191, %dma_wait3A_192] : memref<425984x128xf32, #tpu.memory_space<hbm>> -> memref<128x128xf32, #tpu.memory_space<hbm>>
    tpu.wait_dma2 semaphore(%arg15 : memref<!tpu.dma_semaphore, #tpu.memory_space<semaphore_mem>>) src(%arg7 : memref<128x128xf32, #tpu.memory_space<vmem>>) dst(%dma_wait3A_193 : memref<128x128xf32, #tpu.memory_space<hbm>>)
    %dma_wait3A_194 = arith.constant 0 : i32
    %dma_wait3A_195 = arith.constant 0 : i32
    %dma_wait3A_196 = tpu.memref_slice %arg4[%dma_wait3A_194, %dma_wait3A_195] : memref<425984x128xf32, #tpu.memory_space<hbm>> -> memref<128x128xf32, #tpu.memory_space<hbm>>
    %dma_wait3A_197 = arith.constant 0 : i32
    %dma_wait3A_198 = arith.constant 0 : i32
    %dma_wait3A_199 = tpu.memref_slice %arg4[%dma_wait3A_197, %dma_wait3A_198] : memref<425984x128xf32, #tpu.memory_space<hbm>> -> memref<128x128xf32, #tpu.memory_space<hbm>>
    tpu.wait_dma2 semaphore(%arg16 : memref<!tpu.dma_semaphore, #tpu.memory_space<semaphore_mem>>) src(%arg8 : memref<128x128xf32, #tpu.memory_space<vmem>>) dst(%dma_wait3A_199 : memref<128x128xf32, #tpu.memory_space<hbm>>)
    %dma_wait3A_200 = arith.constant 0 : i32
    %dma_wait3A_201 = arith.constant 0 : i32
    %dma_wait3A_202 = tpu.memref_slice %arg4[%dma_wait3A_200, %dma_wait3A_201] : memref<425984x128xf32, #tpu.memory_space<hbm>> -> memref<128x128xf32, #tpu.memory_space<hbm>>
    %dma_wait3A_203 = arith.constant 0 : i32
    %dma_wait3A_204 = arith.constant 0 : i32
    %dma_wait3A_205 = tpu.memref_slice %arg4[%dma_wait3A_203, %dma_wait3A_204] : memref<425984x128xf32, #tpu.memory_space<hbm>> -> memref<128x128xf32, #tpu.memory_space<hbm>>
    tpu.wait_dma2 semaphore(%arg17 : memref<!tpu.dma_semaphore, #tpu.memory_space<semaphore_mem>>) src(%arg9 : memref<128x128xf32, #tpu.memory_space<vmem>>) dst(%dma_wait3A_205 : memref<128x128xf32, #tpu.memory_space<hbm>>)
    return
  }
}

module attributes {stable_mosaic.version = 14 : i64} {
  func.func @_mm_body(%arg0: i32, %arg1: memref<1024x3328xf32, #tpu.memory_space<vmem>>, %arg2: memref<3328x128xf32, #tpu.memory_space<vmem>>, %arg3: memref<1024x128xf32, #tpu.memory_space<vmem>>) attributes {dimension_semantics = [#tpu.dimension_semantics<arbitrary>], iteration_bounds = array<i64: 16>, scalar_prefetch = 0 : i64, scratch_operands = 0 : i64, tpu.core_type = #tpu.core_type<tc>, window_params = [{transform_indices = @transform_0, window_bounds = array<i64: 1024, 3328>}, {pipeline_mode = #tpu.pipeline_mode<synchronous>, transform_indices = @transform_1, window_bounds = array<i64: 3328, 128>}, {transform_indices = @transform_2, window_bounds = array<i64: 1024, 128>}]} {
    %get3A = arith.constant 0 : index
    %get3A_0 = arith.constant 0 : index
    %get3A_1 = vector.load %arg1[%get3A, %get3A_0] : memref<1024x3328xf32, #tpu.memory_space<vmem>>, vector<1024x3328xf32>
    %get3A_2 = arith.constant 0 : index
    %get3A_3 = arith.constant 0 : index
    %get3A_4 = vector.load %arg2[%get3A_2, %get3A_3] : memref<3328x128xf32, #tpu.memory_space<vmem>>, vector<3328x128xf32>
    %dot_general3A = arith.constant dense<0.000000e+00> : vector<1024x128xf32>
    %dot_general3A_5 = tpu.matmul %get3A_1, %get3A_4, %dot_general3A {dimension_numbers = #tpu.dot_dimension_numbers<[1], [0], [0], [1], [0, 0, 1, 1], [], []>, transpose_lhs_hint = false} : vector<1024x3328xf32>, vector<3328x128xf32>, vector<1024x128xf32> -> vector<1024x128xf32>
    %swap3A = arith.constant 0 : index
    %swap3A_6 = arith.constant 0 : index
    %swap3A_7 = vector.load %arg3[%swap3A, %swap3A_6] : memref<1024x128xf32, #tpu.memory_space<vmem>>, vector<1024x128xf32>
    tpu.vector_store %arg3[%swap3A, %swap3A_6], %dot_general3A_5 {strides = array<i32>} : memref<1024x128xf32, #tpu.memory_space<vmem>>, vector<1024x128xf32>,
    return
  }
  func.func @transform_0(%arg0: i32) -> (i32, i32) {
    %c0_i32 = arith.constant 0 : i32
    %c0_i32_0 = arith.constant 0 : i32
    return %arg0, %c0_i32 : i32, i32
  }
  func.func @transform_1(%arg0: i32) -> (i32, i32) {
    %c0_i32 = arith.constant 0 : i32
    %c0_i32_0 = arith.constant 0 : i32
    %c0_i32_1 = arith.constant 0 : i32
    return %c0_i32, %c0_i32_0 : i32, i32
  }
  func.func @transform_2(%arg0: i32) -> (i32, i32) {
    %c0_i32 = arith.constant 0 : i32
    %c0_i32_0 = arith.constant 0 : i32
    return %arg0, %c0_i32 : i32, i32
  }
}

</mosaic_0001>

<sc_bundles>
// kernel: kernel.4.cloned.1.call-start
scs
__scs_entry_jumppad:
0x0: {  	(pc) =	sbr.rel $0x88, $3  }
0x1: {  	(tag) =	ssettag $0x0;
	lr =	simm.s32 $0x1  }
0x2: {  	[smem:$0x3F9E] =	sst lr;
	_ =	strace $0xD0000000  }
0x3: {  	_ = 	snop  }
0x4: {  	_ = 	snop  }
0x5: {  	_ = 	snop  }
0x6: {  	_ = 	snop  }
0x7: {  	_ = 	snop  }
__scs_overlays_trampoline_lowered:
0x8: {  	[smem:$0x3FAD] =	sst s0  }
0x9: {  	[smem:$0x3FAE] =	sst s1  }
0xa: {  	[smem:$0x3FAF] =	sst s2  }
0xb: {  	[smem:$0x3FB0] =	sst s3  }
0xc: {  	[smem:$0x3FB1] =	sst s4  }
0xd: {  	[smem:$0x3FB2] =	sst s5  }
0xe: {  	[smem:$0x3FB3] =	sst s6  }
0xf: {  	[smem:$0x3FB4] =	sst s7  }
0x10: {  	[smem:$0x3FB5] =	sst s8  }
0x11: {  	[smem:$0x3FB6] =	sst s9;
	s0 =	simm.s32 @!p0 $0x0  }
0x12: {  	s1 =	sld [smem:$0x3F9C];
	s0 =	simm.s32 @p0 $0x1  }
0x13: {  	[smem:$0x3FB7] =	sst s0;
	s0 =	simm.s32 @!p1 $0x0  }
0x14: {  	s2 =	sld [smem:$0x3F9B];
	s0 =	simm.s32 @p1 $0x1  }
0x15: {  	[smem:$0x3FB8] =	sst s0;
	s0 =	simm.s32 @!p2 $0x0  }
0x16: {  	s3 =	sld [smem:$0x3FDB];
	s0 =	simm.s32 @p2 $0x1  }
0x17: {  	s4 =	simm.s32 $0x1BF5;
	[smem:$0x3FBA] =	sst s0  }
0x18: {  	s0 =	sld [smem:$0x3F9D];
	_ =	swait.ge [sflag:s4], $0x0  }
0x19: {  	s7 =	sld [smem:$0x3F9E]  }
0x1a: {  	s8 =	sadd.s32 $0xFFFFE003, lr  }
0x1b: {  	s9 =	sadd.s32 $0xFFFFFEF7, lr;
	s5 =	simm.s32 $0xFFFFFFFF;
	p2 =	slt.u32 s8, $0xFFFFF086  }
0x1c: {  	p1 =	slt.u32 s9, $0xF7A;
	s5 =	simm.s32 @!p2 $0x0  }
0x1d: {  	s5 =	simm.s32 @p1 $0x1;
	p0 =	seq.s32 s7, s2  }
0x1e: {  	s7 =	smul.u32 @!p0 $0xF7A, s2;
	p2 =	seq.s32 @!p0 s5, $0x0  }
0x1f: {  	s9 =	smul.u32 $0xF7A, s1;
	s8 =	simm.s32 @!p0 $0x1BF5;
	p2 =	por !p2, p0  }
0x20: {  	[sflag:s8] =	ssyncset.s32 @!p0 $0xFFFFF086;
	s6 =	sadd.s32 @!p0 s3, s7;
	s7 =	simm.s32 @!p0 $0x108  }
0x21: {  	s3 =	sadd.s32 s3, s9;
	s6 =	sadd.s32 @!p0 $0x88, s6;
	s7 =	simm.s32 @p2 $0x1082  }
0x22: {  	[simem:s7], [sflag:s8] =	dma.local @!p0 [hbm:s6], $0xF7A  }
0x23: {  	s9 =	sor.u32 $0xD0000000, s2;
	s6 =	simm.s32 $0x108;
	_ =	swait.ge @!p0 [sflag:s8], $0x0  }
0x24: {  	s3 =	sadd.s32 $0x88, s3;
	s6 =	simm.s32 @!p1 $0x1082;
	[sflag:s4] =	ssyncset.s32 $0xFFFFF086  }
0x25: {  	[simem:s6], [sflag:s4] =	dma.local [hbm:s3], $0xF7A  }
0x26: {  	[smem:$0x3F9E] =	sst s1;
	(tag) =	ssettag s2;
	_ =	strace s9  }
0x27: {  	s1 =	sld [smem:$0x3FAE]  }
0x28: {  	s2 =	sld [smem:$0x3FAF]  }
0x29: {  	s4 =	sld [smem:$0x3FB1]  }
0x2a: {  	p0 =	seq.s32 s5, $0x0;
	s5 =	sld [smem:$0x3FB2]  }
0x2b: {  	s6 =	sld [smem:$0x3FB3]  }
0x2c: {  	s7 =	sld [smem:$0x3FB4]  }
0x2d: {  	s3 =	simm.s32 $0x108;
	s8 =	sld [smem:$0x3FB5]  }
0x2e: {  	s3 =	simm.s32 @!p0 $0x1082;
	s9 =	sld [smem:$0x3FB6]  }
0x2f: {  	lr =	sadd.s32 s0, s3;
	s0 =	sld [smem:$0x3FAD]  }
0x30: {  	s3 =	sld [smem:$0x3FB0]  }
0x31: {  	[smem:$0x3FB9] =	sst s10  }
0x32: {  	s10 =	sld [smem:$0x3FB7];
	_ =	sdelay $0x3  }
0x33: {  	p0 =	seq.s32 s10, $0x1;
	s10 =	sld [smem:$0x3FB9];
	_ =	sdelay $0x3  }
0x34: {  	[smem:$0x3FB9] =	sst s10  }
0x35: {  	s10 =	sld [smem:$0x3FB8];
	_ =	sdelay $0x3  }
0x36: {  	p1 =	seq.s32 s10, $0x1;
	s10 =	sld [smem:$0x3FB9];
	_ =	sdelay $0x3  }
0x37: {  	[smem:$0x3FB9] =	sst s10  }
0x38: {  	s10 =	sld [smem:$0x3FBA]  }
0x39: {  	_ = 	snop;
	(pc) =	sbr.ind lr, $3  }
0x3a: {  	_ = 	snop  }
0x3b: {  	_ = 	snop  }
0x3c: {  	p2 =	seq.s32 s10, $0x1;
	s10 =	sld [smem:$0x3FB9]  }
0x3d: {  	_ =	shalt  }
0x3e: {  	_ =	shalt  }
0x3f: {  	_ =	shalt  }
0x40: {  	_ =	shalt  }
0x41: {  	_ =	shalt  }
0x42: {  	_ =	shalt  }
0x43: {  	_ =	shalt  }
0x44: {  	_ =	shalt  }
0x45: {  	_ =	shalt  }
0x46: {  	_ =	shalt  }
0x47: {  	_ =	shalt  }
0x48: {  	_ =	shalt  }
0x49: {  	_ =	shalt  }
0x4a: {  	_ =	shalt  }
0x4b: {  	_ =	shalt  }
0x4c: {  	_ =	shalt  }
0x4d: {  	_ =	shalt  }
0x4e: {  	_ =	shalt  }
0x4f: {  	_ =	shalt  }
0x50: {  	_ =	shalt  }
0x51: {  	_ =	shalt  }
0x52: {  	_ =	shalt  }
0x53: {  	_ =	shalt  }
0x54: {  	_ =	shalt  }
0x55: {  	_ =	shalt  }
0x56: {  	_ =	shalt  }
0x57: {  	_ =	shalt  }
0x58: {  	_ =	shalt  }
0x59: {  	_ =	shalt  }
0x5a: {  	_ =	shalt  }
0x5b: {  	_ =	shalt  }
0x5c: {  	_ =	shalt  }
0x5d: {  	_ =	shalt  }
0x5e: {  	_ =	shalt  }
0x5f: {  	_ =	shalt  }
0x60: {  	_ =	shalt  }
0x61: {  	_ =	shalt  }
0x62: {  	_ =	shalt  }
0x63: {  	_ =	shalt  }
0x64: {  	_ =	shalt  }
0x65: {  	_ =	shalt  }
0x66: {  	_ =	shalt  }
0x67: {  	_ =	shalt  }
0x68: {  	_ =	shalt  }
0x69: {  	_ =	shalt  }
0x6a: {  	_ =	shalt  }
0x6b: {  	_ =	shalt  }
0x6c: {  	_ =	shalt  }
0x6d: {  	_ =	shalt  }
0x6e: {  	_ =	shalt  }
0x6f: {  	_ =	shalt  }
0x70: {  	_ =	shalt  }
0x71: {  	_ =	shalt  }
0x72: {  	_ =	shalt  }
0x73: {  	_ =	shalt  }
0x74: {  	_ =	shalt  }
0x75: {  	_ =	shalt  }
0x76: {  	_ =	shalt  }
0x77: {  	_ =	shalt  }
0x78: {  	_ =	shalt  }
0x79: {  	_ =	shalt  }
0x7a: {  	_ =	shalt  }
0x7b: {  	_ =	shalt  }
0x7c: {  	_ =	shalt  }
0x7d: {  	_ =	shalt  }
0x7e: {  	_ =	shalt  }
0x7f: {  	_ =	shalt  }
0x80: {  	_ =	shalt  }
0x81: {  	_ =	shalt  }
0x82: {  	_ =	shalt  }
0x83: {  	_ =	shalt  }
0x84: {  	_ =	shalt  }
0x85: {  	_ =	shalt  }
0x86: {  	_ =	shalt  }
0x87: {  	_ =	shalt  }
.Lfunc_end0:
.L_simem_size_0:
called_computation_lowered:
.L_overlay_start_0:
0x88: {  	s2 =	sld [smem:$0x3FD9]  }
0x89: {  	s3 =	sld [smem:$0x3FFE];
	_ =	sdelay $0x1  }
0x8a: {  	s1 =	srdreg.scid  }
0x8b: {  	s0 =	sand.u32 $0x1, s1  }
0x8c: {  	s17 =	sshll.u32 s0, $0xA;
	s2 =	sadd.s32 s3, s2  }
0x8d: {  	s2 =	sadd.s32 s2, s17  }
0x8e: {  	[smem:$0x3FC5] =	sst s2  }
0x8f: {  	_ = 	snop  }
0x90: {  	s2 =	sld [smem:$0x3FC8]  }
0x91: {  	s18 =	sld [smem:$0x3FD0];
	(tm) =	ssettm $0x1  }
0x92: {  	s4 =	sld [smem:$0x3FFB];
	_ =	sdelay $0x3  }
0x93: {  	_ =	strace s4  }
0x94: {  	s4 =	sld [smem:$0x3FFC];
	_ =	sdelay $0x3  }
0x95: {  	_ =	strace s4  }
0x96: {  	s4 =	sld [smem:$0x3FFD];
	_ =	sdelay $0x3  }
0x97: {  	_ =	strace s4  }
0x98: {  	_ =	strace $0x8FFFFFFF  }
0x99: {  	s19 =	sld [smem:$0x3FDB];
	_ =	sdelay $0x1  }
0x9a: {  	s5 =	simm.s32 $_scs_section_size  }
0x9b: {  	s6 =	simm.s32 $_size__tile_overlayer_lowered;
	s7 =	simm.s32 $_tile_overlayer_lowered  }
0x9c: {  	s22 =	simm.s32 $0x1BFF;
	s21 =	sshll.u32 s7, $0x1;
	s4 =	sadd.s32 s5, s19  }
0x9d: {  	s8 =	simm.s32 $0x0;
	s20 =	sshll.u32 s6, $0x1;
	s6 =	sadd.s32 s21, s4  }
0x9e: {  	[timem:s8], [sflag:s22] =	dma.local [hbm:s6], s20  }
0x9f: {  	_ =	swait.ge [sflag:s22], s20  }
0xa0: {  	s5 =	ssub.s32 $0x0, s20;
	[sflag:s22] =	ssyncset.done $0x0  }
0xa1: {  	[sflag:s22] =	ssyncadd.s32 s5;
	_ =	sdelay $0x1  }
0xa2: {  	s23 =	simm.s32 $0x1B8B  }
0xa3: {  	_ =	swait.ge [sflag:s23], $0x1  }
0xa4: {  	[sflag:s23] =	ssyncset.done $0x0  }
0xa5: {  	s25 =	simm.s32 $0x1B8E;
	s24 =	sld [smem:$0x3FFE];
	[sflag:s23] =	ssyncadd.s32 $0xFFFFFFFF  }
0xa6: {  	s26 =	simm.s32 $execute0_lowered;
	[smem:$0x3FD2] =	sst s25  }
0xa7: {  	s6 =	sshll.u32 s26, $0x1;
	_ =	strace $0x80000046;
	[dreg:$0x1] =	wrdreg $0xFFFFFFFF  }
0xa8: {  	s28 =	simm.s32 $_size_execute0_lowered;
	s4 =	sadd.s32 s4, s6;
	[dreg:$0x0] =	wrdreg $0x0  }
0xa9: {  	s6 =	sshll.u32 s28, $0x1;
	[dreg:$0x2] =	wrdreg s4  }
0xaa: {  	[dreg:$0x3] =	wrdreg s6  }
0xab: {  	[dreg:$0x4] =	wrdreg $0xC0  }
0xac: {  	_ =	task [dreg:s8], $0x5FFFF  }
0xad: {  	[dreg:$0x1] =	wrdreg $0xFFFFFFFF  }
0xae: {  	[dreg:$0x0] =	wrdreg $0x60  }
0xaf: {  	[dreg:$0x2] =	wrdreg s2  }
0xb0: {  	[dreg:$0x3] =	wrdreg s18  }
0xb1: {  	[dreg:$0x4] =	wrdreg s24  }
0xb2: {  	[dreg:$0x5] =	wrdreg $0x9  }
0xb3: {  	_ =	task.clear_ibuf [dreg:s8], $0x6FFFF;
	_ =	strace $0x90000046  }
0xb4: {  	s29 =	simm.s32 $0x9;
	_ =	strace $0x80000048  }
0xb5: {  	_ =	swait.ge [sflag:s29], $0x1  }
0xb6: {  	[sflag:s29] =	ssyncadd.s32 $0xFFFFFFFF  }
0xb7: {  	_ =	strace $0x90000048  }
0xb8: {  	_ =	sfence  }
0xb9: {  	s30 =	sld [smem:$0x0];
	_ =	sdelay $0x2  }
0xba: {  	s31 =	sshll.u32 s1, $0xD;
	s1 =	sshrl.u32 s1, $0x2  }
0xbb: {  	s3 =	sand.u32 $0x4000, s31;
	s1 =	sadd.s32 s1, s30  }
0xbc: {  	s0 =	sor.u32 s3, s0;
	s1 =	sshll.u32 s1, $0x11  }
0xbd: {  	s0 =	sor.u32 s1, s0  }
0xbe: {  	s0 =	sadd.s32 $0x8F2B, s0  }
0xbf: {  	[sflag:s0] =	ssyncadd.remote.s32 $0x1  }
0xc0: {  	_ =	sfence.sel $0xFFFF  }
0xc1: {  	[dreg:$0x0] =	wrdreg $0xFFFFFFFF;
	(pc) =	sbr.abs _section_cstart, $3  }
0xc2: {  	[dreg:$0x1] =	wrdreg $0xFFFFFFFF  }
0xc3: {  	_ =	task.clear_ibuf [dreg:s8], $0x2FFFF;
	_ =	strace $0x9FFFFFFF  }
0xc4: {  	(tm) =	ssettm $0x7FFFFFFF  }
0xc5: {  	_ =	shalt  }
tec
execute0_lowered:
.L_overlay_start_1:
0x0: {  	(tag) =	ssettag $0x1  }
0x1: {  	s1 =	rddreg [dreg:$0x0]  }
0x2: {  	s0 =	rddreg [dreg:$0x1];
	s2 =	srdreg.scid  }
0x3: {  	s14 =	stileid.u32;
	s4 =	rddreg [dreg:$0x2]  }
0x4: {  	s3 =	simm.s32 $0x0;
	s16 =	simm.s32 $0x9;
	s17 =	simm.s32 $0x80  }
0x5: {  	s18 =	simm.s32 $0x3400;
	s19 =	simm.s32 $0x7400;
	s20 =	simm.s32 $0x1  }
0x6: {  	s22 =	simm.s32 $0xB400;
	s28 =	simm.s32 $0x5;
	s11 =	smul.u32 $0x340000, s14  }
0x7: {  	s2 =	sand.u32 $0x1, s2;
	s5 =	sshll.u32 s14, $0x1;
	s14 =	smul.u32 $0x68000, s14  }
0x8: {  	s30 =	simm.s32 $0x4;
	s31 =	simm.s32 $0x6;
	s12 =	smul.u32 $0x1A0000, s2  }
0x9: {  	s5 =	sor.u32 s2, s5;
	s7 =	ssub.s32 $0x2, s2;
	s2 =	smul.u32 $0x34000, s2  }
0xa: {  	s21 =	simm.s32 $0x8;
	[smem:$0x7FF] =	sst s3;
	s6 =	smul.u32 $0x3400, s5  }
0xb: {  	s4 =	sadd.s32 $0x600, s4;
	_ =	strace $0x80000047;
	s8 =	smul.u32 $0x34000, s5  }
0xc: {  	s9 =	sshrl.u32 s7, $0x1;
	s10 =	smul.u32 $0x1A0000, s5;
	s29 =	sadd.s32 s14, s4  }
0xd: {  	s13 =	ssub.s32 s7, s9;
	s12 =	sadd.s32 s12, s11;
	s6 =	sshrl.u32 s6, $0x3  }
0xe: {  	s5 =	sadd.s32 s4, s8;
	s23 =	sshrl.u32 s10, $0x3;
	s15 =	sor.u32 $0x10000, s12  }
0xf: {  	s13 =	smax.u32 s13, $0x1;
	s0 =	sadd.s32 s0, s6;
	s24 =	sadd.s32 $0x800, s5  }
0x10: {  	s25 =	sadd.s32 $0x1000, s5;
	s8 =	sadd.s32 $0x1800, s5;
	[dreg:$0x4] =	wrdreg s0  }
0x11: {  	s26 =	sshrl.u32 s15, $0x3;
	s15 =	sadd.s32 s2, s29;
	[dreg:$0x5] =	wrdreg s24  }
0x12: {  	s2 =	simm.s32 $0x0;
	s0 =	sadd.s32 s4, s23;
	[dreg:$0x6] =	wrdreg s25  }
0x13: {  	s14 =	sadd.s32 s26, s4;
	s23 =	simm.s32 $0x2;
	s25 =	simm.s32 $0xF400  }
0x14: {  	s26 =	simm.s32 $0x3;
	s9 =	sadd.s32 $0x32000, s0;
	s10 =	sadd.s32 $0x32800, s0  }
0x15: {  	s11 =	sadd.s32 $0x33000, s0;
	s12 =	sadd.s32 $0x33800, s0;
	s0 =	simm.s32 $0x7  }
.LBB2_1:
0x16: {  	s4 =	rddreg [dreg:$0x4]  }
0x17: {  	[tilespmem:s3], [sflag:$0x9] =	stream.linear.gather [hbm4b:s4+s3], $0x3400, $0x38;
	[tilespmem:$0x13400] =	vst v63  }
0x18: {  	_ =	swait.ge [sflag:s16], $0x3400  }
0x19: {  	[sflag:s16] =	ssyncset.done $0x0  }
0x1a: {  	[sflag:s16] =	ssyncadd.s32 $0xFFFFCC00  }
0x1b: {  	[tilespmem:s18], [sflag:$0x1] =	stream.indirect.gather [hbm4b:s1+s17], $0x80, s3, s17, $0xb8;
	[tilespmem:$0x13400] =	vst v63  }
0x1c: {  	_ = 	snop  }
0x1d: {  	[tilespmem:s19], [sflag:$0x2] =	stream.indirect.gather [hbm4b:s1+s17], $0x80, s17, s17, $0xb8;
	[tilespmem:$0x13400] =	vst v63  }
0x1e: {  	_ =	swait.ge [sflag:s20], $0x4000  }
0x1f: {  	[sflag:s20] =	ssyncset.done $0x0  }
0x20: {  	[sflag:s20] =	ssyncadd.s32 $0xFFFFC000  }
0x21: {  	[hbm4b:s5+s3] =	stream.linear.scatter [tilespmem:s18], [sflag:$0x5], $0x4000, $0x38;
	[tilespmem:$0x13400] =	vst v63  }
0x22: {  	s24 =	simm.s32 $0x100  }
0x23: {  	[tilespmem:s22], [sflag:$0x3] =	stream.indirect.gather [hbm4b:s1+s17], $0x80, s24, s17, $0xb8;
	[tilespmem:$0x13400] =	vst v63  }
0x24: {  	_ =	swait.ge [sflag:s23], $0x4000  }
0x25: {  	[sflag:s23] =	ssyncset.done $0x0  }
0x26: {  	s6 =	rddreg [dreg:$0x5];
	[sflag:s23] =	ssyncadd.s32 $0xFFFFC000  }
0x27: {  	[hbm4b:s6+s3] =	stream.linear.scatter [tilespmem:s19], [sflag:$0x6], $0x4000, $0x38;
	[tilespmem:$0x13400] =	vst v63  }
0x28: {  	s7 =	simm.s32 $0x180  }
0x29: {  	[tilespmem:s25], [sflag:$0x4] =	stream.indirect.gather [hbm4b:s1+s17], $0x80, s7, s17, $0xb8;
	[tilespmem:$0x13400] =	vst v63  }
0x2a: {  	_ =	swait.ge [sflag:s26], $0x4000  }
0x2b: {  	[sflag:s26] =	ssyncset.done $0x0  }
0x2c: {  	s24 =	rddreg [dreg:$0x6];
	[sflag:s26] =	ssyncadd.s32 $0xFFFFC000  }
0x2d: {  	[hbm4b:s24+s3] =	stream.linear.scatter [tilespmem:s22], [sflag:$0x7], $0x4000, $0x38;
	[tilespmem:$0x13400] =	vst v63  }
0x2e: {  	_ =	swait.ge [sflag:s28], $0x4000  }
0x2f: {  	[sflag:s28] =	ssyncset.done $0x0  }
0x30: {  	s6 =	simm.s32 $0x200;
	[sflag:s28] =	ssyncadd.s32 $0xFFFFC000  }
0x31: {  	[tilespmem:s18], [sflag:$0x1] =	stream.indirect.gather [hbm4b:s1+s17], $0x80, s6, s17, $0xb8;
	[tilespmem:$0x13400] =	vst v63  }
0x32: {  	_ =	swait.ge [sflag:s30], $0x4000  }
0x33: {  	[sflag:s30] =	ssyncset.done $0x0  }
0x34: {  	[sflag:s30] =	ssyncadd.s32 $0xFFFFC000  }
0x35: {  	[hbm4b:s8+s3] =	stream.linear.scatter [tilespmem:s25], [sflag:$0x8], $0x4000, $0x38;
	[tilespmem:$0x13400] =	vst v63  }
0x36: {  	_ =	swait.ge [sflag:s31], $0x4000  }
0x37: {  	[sflag:s31] =	ssyncset.done $0x0  }
0x38: {  	s7 =	simm.s32 $0x280;
	[sflag:s31] =	ssyncadd.s32 $0xFFFFC000  }
0x39: {  	[tilespmem:s19], [sflag:$0x2] =	stream.indirect.gather [hbm4b:s1+s17], $0x80, s7, s17, $0xb8;
	[tilespmem:$0x13400] =	vst v63  }
0x3a: {  	_ =	swait.ge [sflag:s20], $0x4000  }
0x3b: {  	[sflag:s20] =	ssyncset.done $0x0  }
0x3c: {  	s24 =	sadd.s32 $0x0, s14;
	[sflag:s20] =	ssyncadd.s32 $0xFFFFC000  }
0x3d: {  	[hbm4b:s24+s3] =	stream.linear.scatter [tilespmem:s18], [sflag:$0x5], $0x4000, $0x38;
	[tilespmem:$0x13400] =	vst v63  }
0x3e: {  	_ =	swait.ge [sflag:s0], $0x4000  }
0x3f: {  	[sflag:s0] =	ssyncset.done $0x0  }
0x40: {  	s6 =	simm.s32 $0x300;
	[sflag:s0] =	ssyncadd.s32 $0xFFFFC000  }
0x41: {  	[tilespmem:s22], [sflag:$0x3] =	stream.indirect.gather [hbm4b:s1+s17], $0x80, s6, s17, $0xb8;
	[tilespmem:$0x13400] =	vst v63  }
0x42: {  	_ =	swait.ge [sflag:s23], $0x4000  }
0x43: {  	s4 =	sadd.s32 $0x0, s15;
	[sflag:s23] =	ssyncset.done $0x0  }
0x44: {  	s24 =	sadd.s32 $0x2800, s4;
	[sflag:s23] =	ssyncadd.s32 $0xFFFFC000  }
0x45: {  	[hbm4b:s24+s3] =	stream.linear.scatter [tilespmem:s19], [sflag:$0x6], $0x4000, $0x38;
	[tilespmem:$0x13400] =	vst v63  }
0x46: {  	_ =	swait.ge [sflag:s21], $0x4000  }
0x47: {  	[sflag:s21] =	ssyncset.done $0x0  }
0x48: {  	s7 =	simm.s32 $0x380;
	[sflag:s21] =	ssyncadd.s32 $0xFFFFC000  }
0x49: {  	[tilespmem:s25], [sflag:$0x4] =	stream.indirect.gather [hbm4b:s1+s17], $0x80, s7, s17, $0xb8;
	[tilespmem:$0x13400] =	vst v63  }
0x4a: {  	_ =	swait.ge [sflag:s26], $0x4000  }
0x4b: {  	[sflag:s26] =	ssyncset.done $0x0  }
0x4c: {  	s6 =	sadd.s32 $0x3000, s4;
	[sflag:s26] =	ssyncadd.s32 $0xFFFFC000  }
0x4d: {  	[hbm4b:s6+s3] =	stream.linear.scatter [tilespmem:s22], [sflag:$0x7], $0x4000, $0x38;
	[tilespmem:$0x13400] =	vst v63  }
0x4e: {  	_ =	swait.ge [sflag:s28], $0x4000  }
0x4f: {  	[sflag:s28] =	ssyncset.done $0x0  }
0x50: {  	s7 =	simm.s32 $0x400;
	[sflag:s28] =	ssyncadd.s32 $0xFFFFC000  }
0x51: {  	[tilespmem:s18], [sflag:$0x1] =	stream.indirect.gather [hbm4b:s1+s17], $0x80, s7, s17, $0xb8;
	[tilespmem:$0x13400] =	vst v63  }
0x52: {  	_ =	swait.ge [sflag:s30], $0x4000  }
0x53: {  	[sflag:s30] =	ssyncset.done $0x0  }
0x54: {  	s4 =	sadd.s32 $0x3800, s4;
	[sflag:s30] =	ssyncadd.s32 $0xFFFFC000  }
0x55: {  	[hbm4b:s4+s3] =	stream.linear.scatter [tilespmem:s25], [sflag:$0x8], $0x4000, $0x38;
	[tilespmem:$0x13400] =	vst v63  }
0x56: {  	_ =	swait.ge [sflag:s31], $0x4000  }
0x57: {  	s29 =	simm.s32 $0x2000;
	[sflag:s31] =	ssyncset.done $0x0  }
0x58: {  	s24 =	simm.s32 $0x480;
	s4 =	simm.s32 $0x680;
	[sflag:s31] =	ssyncadd.s32 $0xFFFFC000  }
.LBB2_2:
0x59: {  	[tilespmem:s19], [sflag:$0x2] =	stream.indirect.gather [hbm4b:s1+s17], $0x80, s24, s17, $0xb8;
	[tilespmem:$0x13400] =	vst v63  }
0x5a: {  	s6 =	smov.u32 s29;
	s24 =	smov.u32 s4  }
0x5b: {  	p0 =	sne.s32 s29, $0x2E000;
	s29 =	sadd.s32 $0x2000, s29;
	_ =	swait.ge [sflag:s20], $0x4000  }
0x5c: {  	[sflag:s20] =	ssyncset.done $0x0  }
0x5d: {  	s7 =	sadd.s32 s6, s14;
	[sflag:s20] =	ssyncadd.s32 $0xFFFFC000  }
0x5e: {  	[hbm4b:s7+s3] =	stream.linear.scatter [tilespmem:s18], [sflag:$0x5], $0x4000, $0x38;
	[tilespmem:$0x13400] =	vst v63  }
0x5f: {  	_ =	swait.ge [sflag:s0], $0x4000  }
0x60: {  	[sflag:s0] =	ssyncset.done $0x0  }
0x61: {  	s7 =	sadd.s32 $0xFFFFFE80, s4;
	[sflag:s0] =	ssyncadd.s32 $0xFFFFC000  }
0x62: {  	[tilespmem:s22], [sflag:$0x3] =	stream.indirect.gather [hbm4b:s1+s17], $0x80, s7, s17, $0xb8;
	[tilespmem:$0x13400] =	vst v63  }
0x63: {  	_ =	swait.ge [sflag:s23], $0x4000  }
0x64: {  	s6 =	sadd.s32 s6, s15;
	[sflag:s23] =	ssyncset.done $0x0  }
0x65: {  	s7 =	sadd.s32 $0x2800, s6;
	[sflag:s23] =	ssyncadd.s32 $0xFFFFC000  }
0x66: {  	[hbm4b:s7+s3] =	stream.linear.scatter [tilespmem:s19], [sflag:$0x6], $0x4000, $0x38;
	[tilespmem:$0x13400] =	vst v63  }
0x67: {  	_ =	swait.ge [sflag:s21], $0x4000  }
0x68: {  	[sflag:s21] =	ssyncset.done $0x0  }
0x69: {  	s7 =	sadd.s32 $0xFFFFFF00, s4;
	[sflag:s21] =	ssyncadd.s32 $0xFFFFC000  }
0x6a: {  	[tilespmem:s25], [sflag:$0x4] =	stream.indirect.gather [hbm4b:s1+s17], $0x80, s7, s17, $0xb8;
	[tilespmem:$0x13400] =	vst v63  }
0x6b: {  	_ =	swait.ge [sflag:s26], $0x4000  }
0x6c: {  	[sflag:s26] =	ssyncset.done $0x0  }
0x6d: {  	s7 =	sadd.s32 $0x3000, s6;
	[sflag:s26] =	ssyncadd.s32 $0xFFFFC000  }
0x6e: {  	[hbm4b:s7+s3] =	stream.linear.scatter [tilespmem:s22], [sflag:$0x7], $0x4000, $0x38;
	[tilespmem:$0x13400] =	vst v63  }
0x6f: {  	_ =	swait.ge [sflag:s28], $0x4000  }
0x70: {  	[sflag:s28] =	ssyncset.done $0x0  }
0x71: {  	s7 =	sadd.s32 $0xFFFFFF80, s4;
	[sflag:s28] =	ssyncadd.s32 $0xFFFFC000  }
0x72: {  	[tilespmem:s18], [sflag:$0x1] =	stream.indirect.gather [hbm4b:s1+s17], $0x80, s7, s17, $0xb8;
	[tilespmem:$0x13400] =	vst v63  }
0x73: {  	_ =	swait.ge [sflag:s30], $0x4000  }
0x74: {  	[sflag:s30] =	ssyncset.done $0x0  }
.Ltmp0:
0x75: {  	s6 =	sadd.s32 $0x3800, s6;
	[sflag:s30] =	ssyncadd.s32 $0xFFFFC000;
	(pc) =	sbr.rel @p0 .LBB2_2-.Ltmp0, $4  }
0x76: {  	[hbm4b:s6+s3] =	stream.linear.scatter [tilespmem:s25], [sflag:$0x8], $0x4000, $0x38;
	[tilespmem:$0x13400] =	vst v63  }
0x77: {  	_ =	swait.ge [sflag:s31], $0x4000  }
0x78: {  	[sflag:s31] =	ssyncset.done $0x0  }
0x79: {  	s4 =	sadd.s32 $0x200, s4;
	[sflag:s31] =	ssyncadd.s32 $0xFFFFC000  }
0x7a: {  	[tilespmem:s19], [sflag:$0x2] =	stream.indirect.gather [hbm4b:s1+s17], $0x80, s24, s17, $0xb8;
	[tilespmem:$0x13400] =	vst v63  }
0x7b: {  	_ =	swait.ge [sflag:s20], $0x4000  }
0x7c: {  	[sflag:s20] =	ssyncset.done $0x0  }
0x7d: {  	[sflag:s20] =	ssyncadd.s32 $0xFFFFC000  }
0x7e: {  	[hbm4b:s9+s3] =	stream.linear.scatter [tilespmem:s18], [sflag:$0x5], $0x4000, $0x38;
	[tilespmem:$0x13400] =	vst v63  }
0x7f: {  	_ =	swait.ge [sflag:s0], $0x4000  }
0x80: {  	[sflag:s0] =	ssyncset.done $0x0  }
0x81: {  	s4 =	simm.s32 $0x3300;
	[sflag:s0] =	ssyncadd.s32 $0xFFFFC000  }
0x82: {  	[tilespmem:s22], [sflag:$0x3] =	stream.indirect.gather [hbm4b:s1+s17], $0x80, s4, s17, $0xb8;
	[tilespmem:$0x13400] =	vst v63  }
0x83: {  	_ =	swait.ge [sflag:s23], $0x4000  }
0x84: {  	[sflag:s23] =	ssyncset.done $0x0  }
0x85: {  	[sflag:s23] =	ssyncadd.s32 $0xFFFFC000  }
0x86: {  	[hbm4b:s10+s3] =	stream.linear.scatter [tilespmem:s19], [sflag:$0x6], $0x4000, $0x38;
	[tilespmem:$0x13400] =	vst v63  }
0x87: {  	_ =	swait.ge [sflag:s21], $0x4000  }
0x88: {  	[sflag:s21] =	ssyncset.done $0x0  }
0x89: {  	s29 =	simm.s32 $0x3380;
	[sflag:s21] =	ssyncadd.s32 $0xFFFFC000  }
0x8a: {  	[tilespmem:s25], [sflag:$0x4] =	stream.indirect.gather [hbm4b:s1+s17], $0x80, s29, s17, $0xb8;
	[tilespmem:$0x13400] =	vst v63  }
0x8b: {  	_ =	swait.ge [sflag:s26], $0x4000  }
0x8c: {  	[sflag:s26] =	ssyncset.done $0x0  }
0x8d: {  	[sflag:s26] =	ssyncadd.s32 $0xFFFFC000  }
0x8e: {  	[hbm4b:s11+s3] =	stream.linear.scatter [tilespmem:s22], [sflag:$0x7], $0x4000, $0x38;
	[tilespmem:$0x13400] =	vst v63  }
0x8f: {  	_ =	swait.ge [sflag:s30], $0x4000  }
0x90: {  	[sflag:s30] =	ssyncset.done $0x0  }
0x91: {  	[sflag:s30] =	ssyncadd.s32 $0xFFFFC000  }
0x92: {  	[hbm4b:s12+s3] =	stream.linear.scatter [tilespmem:s25], [sflag:$0x8], $0x4000, $0x38;
	[tilespmem:$0x13400] =	vst v63  }
0x93: {  	_ =	swait.ge [sflag:s28], $0x4000  }
0x94: {  	[sflag:s28] =	ssyncset.done $0x0  }
0x95: {  	[sflag:s28] =	ssyncadd.s32 $0xFFFFC000  }
0x96: {  	_ =	swait.ge [sflag:s31], $0x4000  }
0x97: {  	[sflag:s31] =	ssyncset.done $0x0  }
0x98: {  	s2 =	sadd.s32 $0x1, s2;
	[sflag:s31] =	ssyncadd.s32 $0xFFFFC000  }
0x99: {  	p0 =	sne.s32 s2, s13;
	_ =	swait.ge [sflag:s0], $0x4000  }
.Ltmp1:
0x9a: {  	[sflag:s0] =	ssyncset.done $0x0;
	(pc) =	sbr.rel @p0 .LBB2_1-.Ltmp1, $4  }
0x9b: {  	[sflag:s0] =	ssyncadd.s32 $0xFFFFC000  }
0x9c: {  	_ =	swait.ge [sflag:s21], $0x4000  }
0x9d: {  	[sflag:s21] =	ssyncset.done $0x0  }
0x9e: {  	[sflag:s21] =	ssyncadd.s32 $0xFFFFC000  }
0x9f: {  	_ =	sfence.sel $0x180000  }
0xa0: {  	[bflag:$0x0] =	sbarrier.arrive $0xFFFF  }
0xa1: {  	_ =	strace $0x90000047  }
0xa2: {  	s0 =	stileid.u32;
	[bflag:$0x2] =	sbarrier.arrive $0xFFFF  }
0xa3: {  	p0 =	sne.s32 s0, $0x0;
	s0 =	rddreg [dreg:$0x3]  }
0xa4: {  	s0 =	sadd.s32 @!p0 $0x100000, s0  }
0xa5: {  	[sflag:s0] =	ssyncadd.tile.s32 @!p0 $0x1;
	_ =	shalt  }
.Lfunc_end2:
_tile_overlayer_lowered:
.L_overlay_start_2:
0xa6: {  	(tag) =	ssettag $0x2  }
0xa7: {  	s0 =	rddreg [dreg:$0x0];
	s2 =	stileid.u32  }
0xa8: {  	s1 =	rddreg [dreg:$0x1];
	p0 =	sne.s32 s2, $0x0  }
0xa9: {  	s3 =	rddreg [dreg:$0x2];
	[bflag:$0x3] =	sbarrier.arrive $0xFFFF;
	s2 =	simm.s32 @!p0 $0x1C09  }
0xaa: {  	[timem:s3], [sflag:s2] =	dma.local @!p0 [hbm:s0], s1  }
0xab: {  	s0 =	simm.s32 @!p0 $0x9  }
0xac: {  	_ =	swait.ge @!p0 [sflag:s0], s1  }
0xad: {  	s1 =	ssub.s32 @!p0 $0x0, s1;
	[sflag:s0] =	ssyncset.done @!p0 $0x0  }
0xae: {  	[sflag:s0] =	ssyncadd.s32 @!p0 s1  }
0xaf: {  	[bflag:$0x3] =	sbarrier.arrive $0xFFFF  }
0xb0: {  	_ =	shalt  }

</sc_bundles>
